<compile_context>
chip_gen: v7x
topology: tpu7x:2x2x1
jax: 0.10.2.dev20260603
libtpu: 0.0.44.dev20260713+nightly
codegen_flags: <defaults>
</compile_context>

<pallas_src>
import functools

import jax
import jax.numpy as jnp
from jax import lax
from jax.experimental import pallas as pl
from jax.experimental.pallas import tpu as pltpu
from jax.experimental.pallas import tpu_sc as plsc

_BM = 2048


def _make_gather(F, V, D, B):
    info = plsc.get_sparse_core_info()
    NC, NS = info.num_cores, info.num_subcores
    NW = NC * NS
    assert D == NW
    FD = F * D

    M = 49920
    W0 = (V // 128) * 128
    RM = W0 - M
    TAIL = V - W0
    PH = 4096
    NPH = B // PH
    mesh = plsc.VectorSubcoreMesh(core_axis_name="c", subcore_axis_name="s")

    @functools.partial(
        pl.kernel,
        mesh=mesh,
        out_type=jax.ShapeDtypeStruct((FD, B), jnp.float32),
        scratch_types=[
            pltpu.VMEM((W0,), jnp.float32),
            pltpu.VMEM((TAIL,), jnp.float32),
            pltpu.VMEM((PH,), jnp.int32),
            pltpu.VMEM((PH,), jnp.int32),
            pltpu.VMEM((PH,), jnp.float32),
            pltpu.VMEM((PH,), jnp.float32),
            pltpu.SemaphoreType.DMA,
            pltpu.SemaphoreType.DMA,
            pltpu.SemaphoreType.DMA,
            pltpu.SemaphoreType.DMA,
            pltpu.SemaphoreType.DMA,
            pltpu.SemaphoreType.DMA,
            pltpu.SemaphoreType.DMA,
        ],
        compiler_params=pltpu.CompilerParams(
            use_tc_tiling_on_sc=True, needs_layout_passes=False),
    )
    def gather(tab_hbm, idx_hbm, out_hbm, row_v, tail_v, ia, ib, oa, ob,
               semL, semR, semT, si0, si1, sf0, sf1):
        w = lax.axis_index("s") * NC + lax.axis_index("c")
        iota = lax.iota(jnp.int32, 16)
        ibufs = [(ia, si0), (ib, si1)]
        obufs = [(oa, sf0), (ob, sf1)]

        def Ldesc(i):
            fd = i * D + w
            return pltpu.make_async_copy(
                tab_hbm.at[fd // 8, fd % 8, pl.ds(0, M)],
                row_v.at[pl.ds(0, M)], semL)

        def Rdesc(i):
            fd = i * D + w
            return pltpu.make_async_copy(
                tab_hbm.at[fd // 8, fd % 8, pl.ds(M, RM)],
                row_v.at[pl.ds(M, RM)], semR)

        def Tdesc(i):
            fd = i * D + w
            return pltpu.make_async_copy(
                tab_hbm.at[fd // 8, fd % 8, pl.ds(W0, TAIL)], tail_v, semT)

        def Idesc(i, p, buf, sem):
            return pltpu.make_async_copy(
                idx_hbm.at[i, pl.ds(p * PH, PH)], buf, sem)

        def Odesc(i, p, buf, sem):
            return pltpu.make_async_copy(
                buf, out_hbm.at[i * D + w, pl.ds(p * PH, PH)], sem)

        Ldesc(0).start()
        Idesc(0, 0, ia, si0).start()

        def field(i, carry):
            Rdesc(i).start()
            Tdesc(i).start()
            Ldesc(i).wait()
            for p in range(NPH):
                ibuf, isem = ibufs[p % 2]
                obuf, osem = obufs[p % 2]
                Idesc(i, p, ibuf, isem).wait()
                if p < NPH - 1:
                    nb, ns = ibufs[(p + 1) % 2]
                    Idesc(i, p + 1, nb, ns).start()
                else:
                    @pl.when(i + 1 < F)
                    def _():
                        Idesc(i + 1, 0, ia, si0).start()
                if p >= 2:
                    Odesc(i, p - 2, obuf, osem).wait()

                @plsc.parallel_loop(0, PH, 16, unroll=8)
                def passL(o):
                    iv = ibuf[pl.ds(o, 16)]
                    pcl = jnp.minimum(iv, W0 - 1)
                    obuf[pl.ds(o, 16)] = plsc.load_gather(row_v, [pcl])

                if p == 0:
                    Rdesc(i).wait()
                    Tdesc(i).wait()
                if p == NPH - 1:
                    @pl.when(i + 1 < F)
                    def _():
                        Ldesc(i + 1).start()

                @plsc.parallel_loop(0, PH, 16, unroll=8)
                def passR(o):
                    iv = ibuf[pl.ds(o, 16)]
                    pm = jnp.minimum(jnp.maximum(iv, M), W0 - 1)
                    gm = plsc.load_gather(row_v, [pm])
                    pt = jnp.maximum(iv - W0, 0)
                    gt = plsc.load_gather(tail_v, [pt])
                    v = jnp.where(iv >= W0, gt, gm)
                    plsc.store_scatter(obuf, [o + iota], v, mask=iv >= M)

                Odesc(i, p, obuf, osem).start()
            Odesc(i, NPH - 2, obufs[(NPH - 2) % 2][0], obufs[(NPH - 2) % 2][1]).wait()
            Odesc(i, NPH - 1, obufs[(NPH - 1) % 2][0], obufs[(NPH - 1) % 2][1]).wait()
            return carry

        lax.fori_loop(0, F, field, 0)

    return gather


def _mlp(emb_t, num_t, W1e, W1n, b1, W2, b2, W3, b3, W4, b4):
    FD, Bt = emb_t.shape
    NUM = num_t.shape[0]
    cdim0 = (((0,), (0,)), ((), ()))

    def body(emb_ref, num_ref, w1e_ref, w1n_ref, b1_ref, w2_ref, b2_ref,
             w3_ref, b3_ref, w4_ref, b4_ref, out_ref):
        bf = jnp.bfloat16
        h = lax.dot_general(emb_ref[...].astype(bf), w1e_ref[...].astype(bf), cdim0,
                            preferred_element_type=jnp.float32)
        h = h + lax.dot_general(num_ref[...], w1n_ref[...], cdim0,
                                preferred_element_type=jnp.float32)
        h = jnp.maximum(h + b1_ref[...], 0.0)
        h = jnp.maximum(jnp.dot(h.astype(bf), w2_ref[...].astype(bf), preferred_element_type=jnp.float32) + b2_ref[...], 0.0)
        h = jnp.maximum(jnp.dot(h.astype(bf), w3_ref[...].astype(bf), preferred_element_type=jnp.float32) + b3_ref[...], 0.0)
        out_ref[...] = lax.dot_general(w4_ref[...], h, (((0,), (1,)), ((), ())),
                                       preferred_element_type=jnp.float32) + b4_ref[...]

    def full(a):
        nd = a.ndim
        return pl.BlockSpec(a.shape, lambda i, _nd=nd: (0,) * _nd)

    return pl.pallas_call(
        body,
        grid=(Bt // _BM,),
        in_specs=[
            pl.BlockSpec((FD, _BM), lambda i: (0, i)),
            pl.BlockSpec((NUM, _BM), lambda i: (0, i)),
            full(W1e), full(W1n), full(b1),
            full(W2), full(b2), full(W3), full(b3), full(W4), full(b4),
        ],
        out_specs=pl.BlockSpec((1, _BM), lambda i: (0, i)),
        out_shape=jax.ShapeDtypeStruct((1, Bt), jnp.float32),
    )(emb_t, num_t, W1e, W1n, b1, W2, b2, W3, b3, W4, b4)


def kernel(categorical_inputs, numeric_inputs, tables, W1, b1, W2, b2, W3, b3, W4, b4):
    B, F = categorical_inputs.shape
    _, V, D = tables.shape
    FD = F * D

    tab_rows = tables.transpose(0, 2, 1).reshape(FD // 8, 8, V)
    idx_t = categorical_inputs.T
    num_t = numeric_inputs.T

    emb_t = _make_gather(F, V, D, B)(tab_rows, idx_t)

    out = _mlp(
        emb_t, num_t,
        W1[:FD], W1[FD:], b1.reshape(1, -1),
        W2, b2.reshape(1, -1), W3, b3.reshape(1, -1), W4, b4.reshape(1, -1),
    )
    return out.reshape(B)

# --- scband reference (transcript-rebuilt; emitter-appended) ---
"""Pipeline reference for scband-mlpwith-embeddings-1657857376545 (READ-ONLY COPY).

The authoritative reference and input builder live on the scoring server;
editing this copy changes nothing except your own understanding.
"""

import jax, jax.numpy as jnp
import numpy as np

B = 16384
F = 26
V = 100000
D = 32
NUM = 13
HID = [512, 256, 128]


def setup_inputs(seed: int = 0) -> dict:
    key = jax.random.key(seed)
    ks = jax.random.split(key, 12)
    categorical_inputs = jax.random.randint(ks[0], (B, F), 0, V, dtype=jnp.int32)
    numeric_inputs = jax.random.normal(ks[1], (B, NUM), dtype=jnp.float32)
    # Embedding tables: all fields share the same (V, D), stack into one tensor.
    tables = jax.random.normal(ks[2], (F, V, D), dtype=jnp.float32) * 0.01
    dims = [F * D + NUM] + HID + [1]
    params = {}
    for i in range(len(dims) - 1):
        fan_in = dims[i]
        bound = 1.0 / np.sqrt(fan_in)
        params[f"W{i+1}"] = jax.random.uniform(ks[3 + 2 * i], (dims[i], dims[i + 1]), minval=-bound, maxval=bound, dtype=jnp.float32)
        params[f"b{i+1}"] = jax.random.uniform(ks[4 + 2 * i], (dims[i + 1],), minval=-bound, maxval=bound, dtype=jnp.float32)
    out = {"categorical_inputs": categorical_inputs, "numeric_inputs": numeric_inputs, "tables": tables}
    out.update(params)
    return out


def reference(categorical_inputs, numeric_inputs, tables, W1, b1, W2, b2, W3, b3, W4, b4):
    # Per-field embedding lookup: tables[i][categorical_inputs[:, i]]
    emb = jax.vmap(lambda t, idx: jnp.take(t, idx, axis=0), in_axes=(0, 1), out_axes=1)(tables, categorical_inputs)
    emb = emb.reshape(emb.shape[0], -1)  # [B, F*D]
    x = jnp.concatenate([emb, numeric_inputs], axis=1)
    x = jax.nn.relu(x @ W1 + b1)  # dropout p=0.0 -> identity
    x = jax.nn.relu(x @ W2 + b2)
    x = jax.nn.relu(x @ W3 + b3)
    out = (x @ W4 + b4).squeeze(1)
    return out

if __name__ == "__main__":
    import jax
    _d = setup_inputs()
    print(jax.jit(kernel)(*tuple(_d.values())))

</pallas_src>

<mosaic_0001>
#map = affine_map<(d0, d1) -> (0, 0, 0)>
#map1 = affine_map<(d0, d1) -> (0, 0)>
module attributes {stable_mosaic.version = 14 : i64} {
  func.func @gather(%arg0: i32, %arg1: i32, %arg2: memref<104x8x100000xf32, #tpu.memory_space<hbm>>, %arg3: memref<26x16384xi32, #tpu.memory_space<hbm>>, %arg4: memref<832x16384xf32, #tpu.memory_space<hbm>>, %arg5: memref<99968xf32, #tpu.memory_space<vmem>>, %arg6: memref<32xf32, #tpu.memory_space<vmem>>, %arg7: memref<4096xi32, #tpu.memory_space<vmem>>, %arg8: memref<4096xi32, #tpu.memory_space<vmem>>, %arg9: memref<4096xf32, #tpu.memory_space<vmem>>, %arg10: memref<4096xf32, #tpu.memory_space<vmem>>, %arg11: memref<!tpu.dma_semaphore, #tpu.memory_space<semaphore_mem>>, %arg12: memref<!tpu.dma_semaphore, #tpu.memory_space<semaphore_mem>>, %arg13: memref<!tpu.dma_semaphore, #tpu.memory_space<semaphore_mem>>, %arg14: memref<!tpu.dma_semaphore, #tpu.memory_space<semaphore_mem>>, %arg15: memref<!tpu.dma_semaphore, #tpu.memory_space<semaphore_mem>>, %arg16: memref<!tpu.dma_semaphore, #tpu.memory_space<semaphore_mem>>, %arg17: memref<!tpu.dma_semaphore, #tpu.memory_space<semaphore_mem>>) attributes {dimension_semantics = [#tpu.dimension_semantics<core_parallel>, #tpu.dimension_semantics<subcore_parallel>], iteration_bounds = array<i64: 2, 16>, scalar_prefetch = 0 : i64, scratch_operands = 13 : i64, tpu.core_type = #tpu.core_type<sc_vector_subcore>, window_params = [{transform_indices = #map}, {transform_indices = #map1}, {transform_indices = #map1}]} {
    %mul3A = arith.constant 2 : i32
    %mul3A_0 = arith.muli %arg1, %mul3A : i32
    %add3A = arith.addi %mul3A_0, %arg0 : i32
    %iota3A = tpu.iota {dimensions = array<i32: 0>} : vector<16xi32>
    %add3A_1 = arith.constant 0 : i32
    %add3A_2 = arith.addi %add3A_1, %add3A : i32
    %jit3A = arith.constant 8 : i32
    %div3A = arith.divsi %add3A_2, %jit3A : i32
    %sign3A = arith.constant 0 : i32
    %sign3A_3 = arith.cmpi sgt, %add3A_2, %sign3A : i32
    %sign3A_4 = arith.extui %sign3A_3 : i1 to i32
    %sign3A_5 = arith.constant 0 : i32
    %sign3A_6 = arith.cmpi slt, %add3A_2, %sign3A_5 : i32
    %sign3A_7 = arith.extui %sign3A_6 : i1 to i32
    %sign3A_8 = arith.subi %sign3A_4, %sign3A_7 : i32
    %sign3A_9 = arith.constant 0 : i32
    %sign3A_10 = arith.cmpi sgt, %jit3A, %sign3A_9 : i32
    %sign3A_11 = arith.extui %sign3A_10 : i1 to i32
    %sign3A_12 = arith.constant 0 : i32
    %sign3A_13 = arith.cmpi slt, %jit3A, %sign3A_12 : i32
    %sign3A_14 = arith.extui %sign3A_13 : i1 to i32
    %sign3A_15 = arith.subi %sign3A_11, %sign3A_14 : i32
    %ne3A = arith.cmpi ne, %sign3A_8, %sign3A_15 : i32
    %rem3A = arith.remsi %add3A_2, %jit3A : i32
    %ne3A_16 = arith.constant 0 : i32
    %ne3A_17 = arith.cmpi ne, %rem3A, %ne3A_16 : i32
    %and3A = arith.andi %ne3A, %ne3A_17 : i1
    %sub3A = arith.constant 1 : i32
    %sub3A_18 = arith.subi %div3A, %sub3A : i32
    %select_n3A = arith.select %and3A, %sub3A_18, %div3A : i32
    %jit3A_19 = arith.constant 8 : i32
    %eq3A = arith.constant 0 : i32
    %eq3A_20 = arith.cmpi eq, %jit3A_19, %eq3A : i32
    %jit3A_21 = arith.constant 1 : i32
    %select_n3A_22 = arith.select %eq3A_20, %jit3A_21, %jit3A_19 : i32
    %rem3A_23 = arith.remsi %add3A_2, %select_n3A_22 : i32
    %ne3A_24 = arith.constant 0 : i32
    %ne3A_25 = arith.cmpi ne, %rem3A_23, %ne3A_24 : i32
    %lt3A = arith.constant 0 : i32
    %lt3A_26 = arith.cmpi slt, %rem3A_23, %lt3A : i32
    %lt3A_27 = arith.constant 0 : i32
    %lt3A_28 = arith.cmpi slt, %select_n3A_22, %lt3A_27 : i32
    %ne3A_29 = arith.xori %lt3A_26, %lt3A_28 : i1
    %and3A_30 = arith.andi %ne3A_29, %ne3A_25 : i1
    %add3A_31 = arith.addi %rem3A_23, %select_n3A_22 : i32
    %select_n3A_32 = arith.select %and3A_30, %add3A_31, %rem3A_23 : i32
    %dma_start3A = arith.constant 0 : i32
    %dma_start3A_33 = tpu.memref_slice %arg5[%dma_start3A] : memref<99968xf32, #tpu.memory_space<vmem>> -> memref<49920xf32, #tpu.memory_space<vmem>>
    %dma_start3A_34 = arith.constant 0 : i32
    %dma_start3A_35 = tpu.memref_slice %arg2[%select_n3A, %select_n3A_32, %dma_start3A_34] : memref<104x8x100000xf32, #tpu.memory_space<hbm>> -> memref<1x1x49920xf32, #tpu.memory_space<hbm>>
    %dma_start3A_36 = tpu.memref_squeeze %dma_start3A_35 : memref<1x1x49920xf32, #tpu.memory_space<hbm>> -> memref<49920xf32, #tpu.memory_space<hbm>>
    %dma_start3A_37 = arith.constant 0 : i32
    %dma_start3A_38 = tpu.memref_slice %arg5[%dma_start3A_37] : memref<99968xf32, #tpu.memory_space<vmem>> -> memref<49920xf32, #tpu.memory_space<vmem>>
    %dma_start3A_39 = arith.constant 0 : i32
    %dma_start3A_40 = tpu.memref_slice %arg2[%select_n3A, %select_n3A_32, %dma_start3A_39] : memref<104x8x100000xf32, #tpu.memory_space<hbm>> -> memref<1x1x49920xf32, #tpu.memory_space<hbm>>
    %dma_start3A_41 = tpu.memref_squeeze %dma_start3A_40 : memref<1x1x49920xf32, #tpu.memory_space<hbm>> -> memref<49920xf32, #tpu.memory_space<hbm>>
    tpu.enqueue_dma source(%dma_start3A_41 : memref<49920xf32, #tpu.memory_space<hbm>>) target(%dma_start3A_38 : memref<49920xf32, #tpu.memory_space<vmem>>) target_semaphore(%arg11 : memref<!tpu.dma_semaphore, #tpu.memory_space<semaphore_mem>>)
    %dma_start3A_42 = arith.constant 0 : i32
    %dma_start3A_43 = arith.constant 0 : i32
    %dma_start3A_44 = tpu.memref_slice %arg3[%dma_start3A_42, %dma_start3A_43] : memref<26x16384xi32, #tpu.memory_space<hbm>> -> memref<1x4096xi32, #tpu.memory_space<hbm>>
    %dma_start3A_45 = tpu.memref_squeeze %dma_start3A_44 : memref<1x4096xi32, #tpu.memory_space<hbm>> -> memref<4096xi32, #tpu.memory_space<hbm>>
    %dma_start3A_46 = arith.constant 0 : i32
    %dma_start3A_47 = tpu.memref_slice %arg3[%dma_start3A_42, %dma_start3A_46] : memref<26x16384xi32, #tpu.memory_space<hbm>> -> memref<1x4096xi32, #tpu.memory_space<hbm>>
    %dma_start3A_48 = tpu.memref_squeeze %dma_start3A_47 : memref<1x4096xi32, #tpu.memory_space<hbm>> -> memref<4096xi32, #tpu.memory_space<hbm>>
    tpu.enqueue_dma source(%dma_start3A_48 : memref<4096xi32, #tpu.memory_space<hbm>>) target(%arg7 : memref<4096xi32, #tpu.memory_space<vmem>>) target_semaphore(%arg14 : memref<!tpu.dma_semaphore, #tpu.memory_space<semaphore_mem>>)
    %scan3A = arith.constant 0 : i32
    %scan3A_49 = arith.constant 0 : i32
    %scan3A_50 = arith.constant 26 : i32
    %scan3A_51 = arith.addi %scan3A_49, %scan3A_50 : i32
    %scan3A_52 = arith.constant 1 : i32
    scf.for %scan3A_54 = %scan3A_49 to %scan3A_51 step %scan3A_52  : i32 {
      %mul3A_55 = arith.constant 32 : i32
      %mul3A_56 = arith.muli %scan3A_54, %mul3A_55 : i32
      %add3A_57 = arith.addi %mul3A_56, %add3A : i32
      %jit3A_58 = arith.constant 8 : i32
      %div3A_59 = arith.divsi %add3A_57, %jit3A_58 : i32
      %sign3A_60 = arith.constant 0 : i32
      %sign3A_61 = arith.cmpi sgt, %add3A_57, %sign3A_60 : i32
      %sign3A_62 = arith.extui %sign3A_61 : i1 to i32
      %sign3A_63 = arith.constant 0 : i32
      %sign3A_64 = arith.cmpi slt, %add3A_57, %sign3A_63 : i32
      %sign3A_65 = arith.extui %sign3A_64 : i1 to i32
      %sign3A_66 = arith.subi %sign3A_62, %sign3A_65 : i32
      %sign3A_67 = arith.constant 0 : i32
      %sign3A_68 = arith.cmpi sgt, %jit3A_58, %sign3A_67 : i32
      %sign3A_69 = arith.extui %sign3A_68 : i1 to i32
      %sign3A_70 = arith.constant 0 : i32
      %sign3A_71 = arith.cmpi slt, %jit3A_58, %sign3A_70 : i32
      %sign3A_72 = arith.extui %sign3A_71 : i1 to i32
      %sign3A_73 = arith.subi %sign3A_69, %sign3A_72 : i32
      %ne3A_74 = arith.cmpi ne, %sign3A_66, %sign3A_73 : i32
      %rem3A_75 = arith.remsi %add3A_57, %jit3A_58 : i32
      %ne3A_76 = arith.constant 0 : i32
      %ne3A_77 = arith.cmpi ne, %rem3A_75, %ne3A_76 : i32
      %and3A_78 = arith.andi %ne3A_74, %ne3A_77 : i1
      %sub3A_79 = arith.constant 1 : i32
      %sub3A_80 = arith.subi %div3A_59, %sub3A_79 : i32
      %select_n3A_81 = arith.select %and3A_78, %sub3A_80, %div3A_59 : i32
      %jit3A_82 = arith.constant 8 : i32
      %eq3A_83 = arith.constant 0 : i32
      %eq3A_84 = arith.cmpi eq, %jit3A_82, %eq3A_83 : i32
      %jit3A_85 = arith.constant 1 : i32
      %select_n3A_86 = arith.select %eq3A_84, %jit3A_85, %jit3A_82 : i32
      %rem3A_87 = arith.remsi %add3A_57, %select_n3A_86 : i32
      %ne3A_88 = arith.constant 0 : i32
      %ne3A_89 = arith.cmpi ne, %rem3A_87, %ne3A_88 : i32
      %lt3A_90 = arith.constant 0 : i32
      %lt3A_91 = arith.cmpi slt, %rem3A_87, %lt3A_90 : i32
      %lt3A_92 = arith.constant 0 : i32
      %lt3A_93 = arith.cmpi slt, %select_n3A_86, %lt3A_92 : i32
      %ne3A_94 = arith.xori %lt3A_91, %lt3A_93 : i1
      %and3A_95 = arith.andi %ne3A_94, %ne3A_89 : i1
      %add3A_96 = arith.addi %rem3A_87, %select_n3A_86 : i32
      %select_n3A_97 = arith.select %and3A_95, %add3A_96, %rem3A_87 : i32
      %dma_start3A_98 = arith.constant 49920 : i32
      %dma_start3A_99 = tpu.memref_slice %arg5[%dma_start3A_98] : memref<99968xf32, #tpu.memory_space<vmem>> -> memref<50048xf32, #tpu.memory_space<vmem>>
      %dma_start3A_100 = arith.constant 49920 : i32
      %dma_start3A_101 = tpu.memref_slice %arg2[%select_n3A_81, %select_n3A_97, %dma_start3A_100] : memref<104x8x100000xf32, #tpu.memory_space<hbm>> -> memref<1x1x50048xf32, #tpu.memory_space<hbm>>
      %dma_start3A_102 = tpu.memref_squeeze %dma_start3A_101 : memref<1x1x50048xf32, #tpu.memory_space<hbm>> -> memref<50048xf32, #tpu.memory_space<hbm>>
      %dma_start3A_103 = arith.constant 49920 : i32
      %dma_start3A_104 = tpu.memref_slice %arg5[%dma_start3A_103] : memref<99968xf32, #tpu.memory_space<vmem>> -> memref<50048xf32, #tpu.memory_space<vmem>>
      %dma_start3A_105 = arith.constant 49920 : i32
      %dma_start3A_106 = tpu.memref_slice %arg2[%select_n3A_81, %select_n3A_97, %dma_start3A_105] : memref<104x8x100000xf32, #tpu.memory_space<hbm>> -> memref<1x1x50048xf32, #tpu.memory_space<hbm>>
      %dma_start3A_107 = tpu.memref_squeeze %dma_start3A_106 : memref<1x1x50048xf32, #tpu.memory_space<hbm>> -> memref<50048xf32, #tpu.memory_space<hbm>>
      tpu.enqueue_dma source(%dma_start3A_107 : memref<50048xf32, #tpu.memory_space<hbm>>) target(%dma_start3A_104 : memref<50048xf32, #tpu.memory_space<vmem>>) target_semaphore(%arg12 : memref<!tpu.dma_semaphore, #tpu.memory_space<semaphore_mem>>)
      %mul3A_108 = arith.constant 32 : i32
      %mul3A_109 = arith.muli %scan3A_54, %mul3A_108 : i32
      %add3A_110 = arith.addi %mul3A_109, %add3A : i32
      %jit3A_111 = arith.constant 8 : i32
      %div3A_112 = arith.divsi %add3A_110, %jit3A_111 : i32
      %sign3A_113 = arith.constant 0 : i32
      %sign3A_114 = arith.cmpi sgt, %add3A_110, %sign3A_113 : i32
      %sign3A_115 = arith.extui %sign3A_114 : i1 to i32
      %sign3A_116 = arith.constant 0 : i32
      %sign3A_117 = arith.cmpi slt, %add3A_110, %sign3A_116 : i32
      %sign3A_118 = arith.extui %sign3A_117 : i1 to i32
      %sign3A_119 = arith.subi %sign3A_115, %sign3A_118 : i32
      %sign3A_120 = arith.constant 0 : i32
      %sign3A_121 = arith.cmpi sgt, %jit3A_111, %sign3A_120 : i32
      %sign3A_122 = arith.extui %sign3A_121 : i1 to i32
      %sign3A_123 = arith.constant 0 : i32
      %sign3A_124 = arith.cmpi slt, %jit3A_111, %sign3A_123 : i32
      %sign3A_125 = arith.extui %sign3A_124 : i1 to i32
      %sign3A_126 = arith.subi %sign3A_122, %sign3A_125 : i32
      %ne3A_127 = arith.cmpi ne, %sign3A_119, %sign3A_126 : i32
      %rem3A_128 = arith.remsi %add3A_110, %jit3A_111 : i32
      %ne3A_129 = arith.constant 0 : i32
      %ne3A_130 = arith.cmpi ne, %rem3A_128, %ne3A_129 : i32
      %and3A_131 = arith.andi %ne3A_127, %ne3A_130 : i1
      %sub3A_132 = arith.constant 1 : i32
      %sub3A_133 = arith.subi %div3A_112, %sub3A_132 : i32
      %select_n3A_134 = arith.select %and3A_131, %sub3A_133, %div3A_112 : i32
      %jit3A_135 = arith.constant 8 : i32
      %eq3A_136 = arith.constant 0 : i32
      %eq3A_137 = arith.cmpi eq, %jit3A_135, %eq3A_136 : i32
      %jit3A_138 = arith.constant 1 : i32
      %select_n3A_139 = arith.select %eq3A_137, %jit3A_138, %jit3A_135 : i32
      %rem3A_140 = arith.remsi %add3A_110, %select_n3A_139 : i32
      %ne3A_141 = arith.constant 0 : i32
      %ne3A_142 = arith.cmpi ne, %rem3A_140, %ne3A_141 : i32
      %lt3A_143 = arith.constant 0 : i32
      %lt3A_144 = arith.cmpi slt, %rem3A_140, %lt3A_143 : i32
      %lt3A_145 = arith.constant 0 : i32
      %lt3A_146 = arith.cmpi slt, %select_n3A_139, %lt3A_145 : i32
      %ne3A_147 = arith.xori %lt3A_144, %lt3A_146 : i1
      %and3A_148 = arith.andi %ne3A_147, %ne3A_142 : i1
      %add3A_149 = arith.addi %rem3A_140, %select_n3A_139 : i32
      %select_n3A_150 = arith.select %and3A_148, %add3A_149, %rem3A_140 : i32
      %dma_start3A_151 = arith.constant 99968 : i32
      %dma_start3A_152 = tpu.memref_slice %arg2[%select_n3A_134, %select_n3A_150, %dma_start3A_151] : memref<104x8x100000xf32, #tpu.memory_space<hbm>> -> memref<1x1x32xf32, #tpu.memory_space<hbm>>
      %dma_start3A_153 = tpu.memref_squeeze %dma_start3A_152 : memref<1x1x32xf32, #tpu.memory_space<hbm>> -> memref<32xf32, #tpu.memory_space<hbm>>
      %dma_start3A_154 = arith.constant 99968 : i32
      %dma_start3A_155 = tpu.memref_slice %arg2[%select_n3A_134, %select_n3A_150, %dma_start3A_154] : memref<104x8x100000xf32, #tpu.memory_space<hbm>> -> memref<1x1x32xf32, #tpu.memory_space<hbm>>
      %dma_start3A_156 = tpu.memref_squeeze %dma_start3A_155 : memref<1x1x32xf32, #tpu.memory_space<hbm>> -> memref<32xf32, #tpu.memory_space<hbm>>
      tpu.enqueue_dma source(%dma_start3A_156 : memref<32xf32, #tpu.memory_space<hbm>>) target(%arg6 : memref<32xf32, #tpu.memory_space<vmem>>) target_semaphore(%arg13 : memref<!tpu.dma_semaphore, #tpu.memory_space<semaphore_mem>>)
      %mul3A_157 = arith.constant 32 : i32
      %mul3A_158 = arith.muli %scan3A_54, %mul3A_157 : i32
      %add3A_159 = arith.addi %mul3A_158, %add3A : i32
      %jit3A_160 = arith.constant 8 : i32
      %div3A_161 = arith.divsi %add3A_159, %jit3A_160 : i32
      %sign3A_162 = arith.constant 0 : i32
      %sign3A_163 = arith.cmpi sgt, %add3A_159, %sign3A_162 : i32
      %sign3A_164 = arith.extui %sign3A_163 : i1 to i32
      %sign3A_165 = arith.constant 0 : i32
      %sign3A_166 = arith.cmpi slt, %add3A_159, %sign3A_165 : i32
      %sign3A_167 = arith.extui %sign3A_166 : i1 to i32
      %sign3A_168 = arith.subi %sign3A_164, %sign3A_167 : i32
      %sign3A_169 = arith.constant 0 : i32
      %sign3A_170 = arith.cmpi sgt, %jit3A_160, %sign3A_169 : i32
      %sign3A_171 = arith.extui %sign3A_170 : i1 to i32
      %sign3A_172 = arith.constant 0 : i32
      %sign3A_173 = arith.cmpi slt, %jit3A_160, %sign3A_172 : i32
      %sign3A_174 = arith.extui %sign3A_173 : i1 to i32
      %sign3A_175 = arith.subi %sign3A_171, %sign3A_174 : i32
      %ne3A_176 = arith.cmpi ne, %sign3A_168, %sign3A_175 : i32
      %rem3A_177 = arith.remsi %add3A_159, %jit3A_160 : i32
      %ne3A_178 = arith.constant 0 : i32
      %ne3A_179 = arith.cmpi ne, %rem3A_177, %ne3A_178 : i32
      %and3A_180 = arith.andi %ne3A_176, %ne3A_179 : i1
      %sub3A_181 = arith.constant 1 : i32
      %sub3A_182 = arith.subi %div3A_161, %sub3A_181 : i32
      %select_n3A_183 = arith.select %and3A_180, %sub3A_182, %div3A_161 : i32
      %jit3A_184 = arith.constant 8 : i32
      %eq3A_185 = arith.constant 0 : i32
      %eq3A_186 = arith.cmpi eq, %jit3A_184, %eq3A_185 : i32
      %jit3A_187 = arith.constant 1 : i32
      %select_n3A_188 = arith.select %eq3A_186, %jit3A_187, %jit3A_184 : i32
      %rem3A_189 = arith.remsi %add3A_159, %select_n3A_188 : i32
      %ne3A_190 = arith.constant 0 : i32
      %ne3A_191 = arith.cmpi ne, %rem3A_189, %ne3A_190 : i32
      %lt3A_192 = arith.constant 0 : i32
      %lt3A_193 = arith.cmpi slt, %rem3A_189, %lt3A_192 : i32
      %lt3A_194 = arith.constant 0 : i32
      %lt3A_195 = arith.cmpi slt, %select_n3A_188, %lt3A_194 : i32
      %ne3A_196 = arith.xori %lt3A_193, %lt3A_195 : i1
      %and3A_197 = arith.andi %ne3A_196, %ne3A_191 : i1
      %add3A_198 = arith.addi %rem3A_189, %select_n3A_188 : i32
      %select_n3A_199 = arith.select %and3A_197, %add3A_198, %rem3A_189 : i32
      %dma_wait3A = arith.constant 0 : i32
      %dma_wait3A_200 = tpu.memref_slice %arg5[%dma_wait3A] : memref<99968xf32, #tpu.memory_space<vmem>> -> memref<49920xf32, #tpu.memory_space<vmem>>
      %dma_wait3A_201 = arith.constant 0 : i32
      %dma_wait3A_202 = tpu.memref_slice %arg2[%select_n3A_183, %select_n3A_199, %dma_wait3A_201] : memref<104x8x100000xf32, #tpu.memory_space<hbm>> -> memref<1x1x49920xf32, #tpu.memory_space<hbm>>
      %dma_wait3A_203 = tpu.memref_squeeze %dma_wait3A_202 : memref<1x1x49920xf32, #tpu.memory_space<hbm>> -> memref<49920xf32, #tpu.memory_space<hbm>>
      %dma_wait3A_204 = arith.constant 0 : i32
      %dma_wait3A_205 = tpu.memref_slice %arg5[%dma_wait3A_204] : memref<99968xf32, #tpu.memory_space<vmem>> -> memref<49920xf32, #tpu.memory_space<vmem>>
      %dma_wait3A_206 = arith.constant 0 : i32
      %dma_wait3A_207 = tpu.memref_slice %arg2[%select_n3A_183, %select_n3A_199, %dma_wait3A_206] : memref<104x8x100000xf32, #tpu.memory_space<hbm>> -> memref<1x1x49920xf32, #tpu.memory_space<hbm>>
      %dma_wait3A_208 = tpu.memref_squeeze %dma_wait3A_207 : memref<1x1x49920xf32, #tpu.memory_space<hbm>> -> memref<49920xf32, #tpu.memory_space<hbm>>
      tpu.wait_dma2 semaphore(%arg11 : memref<!tpu.dma_semaphore, #tpu.memory_space<semaphore_mem>>) src(%dma_wait3A_208 : memref<49920xf32, #tpu.memory_space<hbm>>) dst(%dma_wait3A_205 : memref<49920xf32, #tpu.memory_space<vmem>>)
      %dma_wait3A_209 = arith.constant 0 : i32
      %dma_wait3A_210 = tpu.memref_slice %arg3[%scan3A_54, %dma_wait3A_209] : memref<26x16384xi32, #tpu.memory_space<hbm>> -> memref<1x4096xi32, #tpu.memory_space<hbm>>
      %dma_wait3A_211 = tpu.memref_squeeze %dma_wait3A_210 : memref<1x4096xi32, #tpu.memory_space<hbm>> -> memref<4096xi32, #tpu.memory_space<hbm>>
      %dma_wait3A_212 = arith.constant 0 : i32
      %dma_wait3A_213 = tpu.memref_slice %arg3[%scan3A_54, %dma_wait3A_212] : memref<26x16384xi32, #tpu.memory_space<hbm>> -> memref<1x4096xi32, #tpu.memory_space<hbm>>
      %dma_wait3A_214 = tpu.memref_squeeze %dma_wait3A_213 : memref<1x4096xi32, #tpu.memory_space<hbm>> -> memref<4096xi32, #tpu.memory_space<hbm>>
      tpu.wait_dma2 semaphore(%arg14 : memref<!tpu.dma_semaphore, #tpu.memory_space<semaphore_mem>>) src(%dma_wait3A_214 : memref<4096xi32, #tpu.memory_space<hbm>>) dst(%arg7 : memref<4096xi32, #tpu.memory_space<vmem>>)
      %dma_start3A_215 = arith.constant 4096 : i32
      %dma_start3A_216 = tpu.memref_slice %arg3[%scan3A_54, %dma_start3A_215] : memref<26x16384xi32, #tpu.memory_space<hbm>> -> memref<1x4096xi32, #tpu.memory_space<hbm>>
      %dma_start3A_217 = tpu.memref_squeeze %dma_start3A_216 : memref<1x4096xi32, #tpu.memory_space<hbm>> -> memref<4096xi32, #tpu.memory_space<hbm>>
      %dma_start3A_218 = arith.constant 4096 : i32
      %dma_start3A_219 = tpu.memref_slice %arg3[%scan3A_54, %dma_start3A_218] : memref<26x16384xi32, #tpu.memory_space<hbm>> -> memref<1x4096xi32, #tpu.memory_space<hbm>>
      %dma_start3A_220 = tpu.memref_squeeze %dma_start3A_219 : memref<1x4096xi32, #tpu.memory_space<hbm>> -> memref<4096xi32, #tpu.memory_space<hbm>>
      tpu.enqueue_dma source(%dma_start3A_220 : memref<4096xi32, #tpu.memory_space<hbm>>) target(%arg8 : memref<4096xi32, #tpu.memory_space<vmem>>) target_semaphore(%arg15 : memref<!tpu.dma_semaphore, #tpu.memory_space<semaphore_mem>>)
      %parallel_loop3A = arith.constant 0 : i32
      %parallel_loop3A_221 = arith.constant 4096 : i32
      %parallel_loop3A_222 = arith.constant 16 : i32
      scf.for %parallel_loop3A_460 = %parallel_loop3A to %parallel_loop3A_221 step %parallel_loop3A_222  : i32 {
        %parallel_loop3A_461 = arith.index_cast %parallel_loop3A_460 : i32 to index
        %parallel_loop3A_462 = tpu.vector_load %arg7[%parallel_loop3A_461] {strides = array<i32>} : memref<4096xi32, #tpu.memory_space<vmem>>, vector<16xi32>,
        %parallel_loop3A_463 = arith.constant 99967 : i32
        %parallel_loop3A_464 = vector.broadcast %parallel_loop3A_463 : i32 to vector<16xi32>
        %parallel_loop3A_465 = arith.minsi %parallel_loop3A_462, %parallel_loop3A_464 : vector<16xi32>
        %parallel_loop3A_466 = tpu.vector_load_idx %arg5[%parallel_loop3A_465] : memref<99968xf32, #tpu.memory_space<vmem>>[vector<16xi32>], vector<16xf32>,
        %parallel_loop3A_467 = arith.index_cast %parallel_loop3A_460 : i32 to index
        %parallel_loop3A_468 = tpu.vector_load %arg9[%parallel_loop3A_467] {strides = array<i32>} : memref<4096xf32, #tpu.memory_space<vmem>>, vector<16xf32>,
        tpu.vector_store %arg9[%parallel_loop3A_467], %parallel_loop3A_466 {strides = array<i32>} : memref<4096xf32, #tpu.memory_space<vmem>>, vector<16xf32>,
      } {sc.loop_unroll_factor = 8 : i64, sc.parallel_access}
      %mul3A_223 = arith.constant 32 : i32
      %mul3A_224 = arith.muli %scan3A_54, %mul3A_223 : i32
      %add3A_225 = arith.addi %mul3A_224, %add3A : i32
      %jit3A_226 = arith.constant 8 : i32
      %div3A_227 = arith.divsi %add3A_225, %jit3A_226 : i32
      %sign3A_228 = arith.constant 0 : i32
      %sign3A_229 = arith.cmpi sgt, %add3A_225, %sign3A_228 : i32
      %sign3A_230 = arith.extui %sign3A_229 : i1 to i32
      %sign3A_231 = arith.constant 0 : i32
      %sign3A_232 = arith.cmpi slt, %add3A_225, %sign3A_231 : i32
      %sign3A_233 = arith.extui %sign3A_232 : i1 to i32
      %sign3A_234 = arith.subi %sign3A_230, %sign3A_233 : i32
      %sign3A_235 = arith.constant 0 : i32
      %sign3A_236 = arith.cmpi sgt, %jit3A_226, %sign3A_235 : i32
      %sign3A_237 = arith.extui %sign3A_236 : i1 to i32
      %sign3A_238 = arith.constant 0 : i32
      %sign3A_239 = arith.cmpi slt, %jit3A_226, %sign3A_238 : i32
      %sign3A_240 = arith.extui %sign3A_239 : i1 to i32
      %sign3A_241 = arith.subi %sign3A_237, %sign3A_240 : i32
      %ne3A_242 = arith.cmpi ne, %sign3A_234, %sign3A_241 : i32
      %rem3A_243 = arith.remsi %add3A_225, %jit3A_226 : i32
      %ne3A_244 = arith.constant 0 : i32
      %ne3A_245 = arith.cmpi ne, %rem3A_243, %ne3A_244 : i32
      %and3A_246 = arith.andi %ne3A_242, %ne3A_245 : i1
      %sub3A_247 = arith.constant 1 : i32
      %sub3A_248 = arith.subi %div3A_227, %sub3A_247 : i32
      %select_n3A_249 = arith.select %and3A_246, %sub3A_248, %div3A_227 : i32
      %jit3A_250 = arith.constant 8 : i32
      %eq3A_251 = arith.constant 0 : i32
      %eq3A_252 = arith.cmpi eq, %jit3A_250, %eq3A_251 : i32
      %jit3A_253 = arith.constant 1 : i32
      %select_n3A_254 = arith.select %eq3A_252, %jit3A_253, %jit3A_250 : i32
      %rem3A_255 = arith.remsi %add3A_225, %select_n3A_254 : i32
      %ne3A_256 = arith.constant 0 : i32
      %ne3A_257 = arith.cmpi ne, %rem3A_255, %ne3A_256 : i32
      %lt3A_258 = arith.constant 0 : i32
      %lt3A_259 = arith.cmpi slt, %rem3A_255, %lt3A_258 : i32
      %lt3A_260 = arith.constant 0 : i32
      %lt3A_261 = arith.cmpi slt, %select_n3A_254, %lt3A_260 : i32
      %ne3A_262 = arith.xori %lt3A_259, %lt3A_261 : i1
      %and3A_263 = arith.andi %ne3A_262, %ne3A_257 : i1
      %add3A_264 = arith.addi %rem3A_255, %select_n3A_254 : i32
      %select_n3A_265 = arith.select %and3A_263, %add3A_264, %rem3A_255 : i32
      %dma_wait3A_266 = arith.constant 49920 : i32
      %dma_wait3A_267 = tpu.memref_slice %arg5[%dma_wait3A_266] : memref<99968xf32, #tpu.memory_space<vmem>> -> memref<50048xf32, #tpu.memory_space<vmem>>
      %dma_wait3A_268 = arith.constant 49920 : i32
      %dma_wait3A_269 = tpu.memref_slice %arg2[%select_n3A_249, %select_n3A_265, %dma_wait3A_268] : memref<104x8x100000xf32, #tpu.memory_space<hbm>> -> memref<1x1x50048xf32, #tpu.memory_space<hbm>>
      %dma_wait3A_270 = tpu.memref_squeeze %dma_wait3A_269 : memref<1x1x50048xf32, #tpu.memory_space<hbm>> -> memref<50048xf32, #tpu.memory_space<hbm>>
      %dma_wait3A_271 = arith.constant 49920 : i32
      %dma_wait3A_272 = tpu.memref_slice %arg5[%dma_wait3A_271] : memref<99968xf32, #tpu.memory_space<vmem>> -> memref<50048xf32, #tpu.memory_space<vmem>>
      %dma_wait3A_273 = arith.constant 49920 : i32
      %dma_wait3A_274 = tpu.memref_slice %arg2[%select_n3A_249, %select_n3A_265, %dma_wait3A_273] : memref<104x8x100000xf32, #tpu.memory_space<hbm>> -> memref<1x1x50048xf32, #tpu.memory_space<hbm>>
      %dma_wait3A_275 = tpu.memref_squeeze %dma_wait3A_274 : memref<1x1x50048xf32, #tpu.memory_space<hbm>> -> memref<50048xf32, #tpu.memory_space<hbm>>
      tpu.wait_dma2 semaphore(%arg12 : memref<!tpu.dma_semaphore, #tpu.memory_space<semaphore_mem>>) src(%dma_wait3A_275 : memref<50048xf32, #tpu.memory_space<hbm>>) dst(%dma_wait3A_272 : memref<50048xf32, #tpu.memory_space<vmem>>)
      %mul3A_276 = arith.constant 32 : i32
      %mul3A_277 = arith.muli %scan3A_54, %mul3A_276 : i32
      %add3A_278 = arith.addi %mul3A_277, %add3A : i32
      %jit3A_279 = arith.constant 8 : i32
      %div3A_280 = arith.divsi %add3A_278, %jit3A_279 : i32
      %sign3A_281 = arith.constant 0 : i32
      %sign3A_282 = arith.cmpi sgt, %add3A_278, %sign3A_281 : i32
      %sign3A_283 = arith.extui %sign3A_282 : i1 to i32
      %sign3A_284 = arith.constant 0 : i32
      %sign3A_285 = arith.cmpi slt, %add3A_278, %sign3A_284 : i32
      %sign3A_286 = arith.extui %sign3A_285 : i1 to i32
      %sign3A_287 = arith.subi %sign3A_283, %sign3A_286 : i32
      %sign3A_288 = arith.constant 0 : i32
      %sign3A_289 = arith.cmpi sgt, %jit3A_279, %sign3A_288 : i32
      %sign3A_290 = arith.extui %sign3A_289 : i1 to i32
      %sign3A_291 = arith.constant 0 : i32
      %sign3A_292 = arith.cmpi slt, %jit3A_279, %sign3A_291 : i32
      %sign3A_293 = arith.extui %sign3A_292 : i1 to i32
      %sign3A_294 = arith.subi %sign3A_290, %sign3A_293 : i32
      %ne3A_295 = arith.cmpi ne, %sign3A_287, %sign3A_294 : i32
      %rem3A_296 = arith.remsi %add3A_278, %jit3A_279 : i32
      %ne3A_297 = arith.constant 0 : i32
      %ne3A_298 = arith.cmpi ne, %rem3A_296, %ne3A_297 : i32
      %and3A_299 = arith.andi %ne3A_295, %ne3A_298 : i1
      %sub3A_300 = arith.constant 1 : i32
      %sub3A_301 = arith.subi %div3A_280, %sub3A_300 : i32
      %select_n3A_302 = arith.select %and3A_299, %sub3A_301, %div3A_280 : i32
      %jit3A_303 = arith.constant 8 : i32
      %eq3A_304 = arith.constant 0 : i32
      %eq3A_305 = arith.cmpi eq, %jit3A_303, %eq3A_304 : i32
      %jit3A_306 = arith.constant 1 : i32
      %select_n3A_307 = arith.select %eq3A_305, %jit3A_306, %jit3A_303 : i32
      %rem3A_308 = arith.remsi %add3A_278, %select_n3A_307 : i32
      %ne3A_309 = arith.constant 0 : i32
      %ne3A_310 = arith.cmpi ne, %rem3A_308, %ne3A_309 : i32
      %lt3A_311 = arith.constant 0 : i32
      %lt3A_312 = arith.cmpi slt, %rem3A_308, %lt3A_311 : i32
      %lt3A_313 = arith.constant 0 : i32
      %lt3A_314 = arith.cmpi slt, %select_n3A_307, %lt3A_313 : i32
      %ne3A_315 = arith.xori %lt3A_312, %lt3A_314 : i1
      %and3A_316 = arith.andi %ne3A_315, %ne3A_310 : i1
      %add3A_317 = arith.addi %rem3A_308, %select_n3A_307 : i32
      %select_n3A_318 = arith.select %and3A_316, %add3A_317, %rem3A_308 : i32
      %dma_wait3A_319 = arith.constant 99968 : i32
      %dma_wait3A_320 = tpu.memref_slice %arg2[%select_n3A_302, %select_n3A_318, %dma_wait3A_319] : memref<104x8x100000xf32, #tpu.memory_space<hbm>> -> memref<1x1x32xf32, #tpu.memory_space<hbm>>
      %dma_wait3A_321 = tpu.memref_squeeze %dma_wait3A_320 : memref<1x1x32xf32, #tpu.memory_space<hbm>> -> memref<32xf32, #tpu.memory_space<hbm>>
      %dma_wait3A_322 = arith.constant 99968 : i32
      %dma_wait3A_323 = tpu.memref_slice %arg2[%select_n3A_302, %select_n3A_318, %dma_wait3A_322] : memref<104x8x100000xf32, #tpu.memory_space<hbm>> -> memref<1x1x32xf32, #tpu.memory_space<hbm>>
      %dma_wait3A_324 = tpu.memref_squeeze %dma_wait3A_323 : memref<1x1x32xf32, #tpu.memory_space<hbm>> -> memref<32xf32, #tpu.memory_space<hbm>>
      tpu.wait_dma2 semaphore(%arg13 : memref<!tpu.dma_semaphore, #tpu.memory_space<semaphore_mem>>) src(%dma_wait3A_324 : memref<32xf32, #tpu.memory_space<hbm>>) dst(%arg6 : memref<32xf32, #tpu.memory_space<vmem>>)
      %parallel_loop3A_325 = arith.constant 0 : i32
      %parallel_loop3A_326 = arith.constant 4096 : i32
      %parallel_loop3A_327 = arith.constant 16 : i32
      scf.for %parallel_loop3A_460 = %parallel_loop3A_325 to %parallel_loop3A_326 step %parallel_loop3A_327  : i32 {
        %parallel_loop3A_461 = arith.index_cast %parallel_loop3A_460 : i32 to index
        %parallel_loop3A_462 = tpu.vector_load %arg7[%parallel_loop3A_461] {strides = array<i32>} : memref<4096xi32, #tpu.memory_space<vmem>>, vector<16xi32>,
        %parallel_loop3A_463 = arith.constant 49920 : i32
        %parallel_loop3A_464 = vector.broadcast %parallel_loop3A_463 : i32 to vector<16xi32>
        %parallel_loop3A_465 = arith.maxsi %parallel_loop3A_462, %parallel_loop3A_464 : vector<16xi32>
        %parallel_loop3A_466 = arith.constant 99967 : i32
        %parallel_loop3A_467 = vector.broadcast %parallel_loop3A_466 : i32 to vector<16xi32>
        %parallel_loop3A_468 = arith.minsi %parallel_loop3A_465, %parallel_loop3A_467 : vector<16xi32>
        %parallel_loop3A_469 = tpu.vector_load_idx %arg5[%parallel_loop3A_468] : memref<99968xf32, #tpu.memory_space<vmem>>[vector<16xi32>], vector<16xf32>,
        %parallel_loop3A_470 = arith.constant 99968 : i32
        %parallel_loop3A_471 = vector.broadcast %parallel_loop3A_470 : i32 to vector<16xi32>
        %parallel_loop3A_472 = arith.subi %parallel_loop3A_462, %parallel_loop3A_471 : vector<16xi32>
        %parallel_loop3A_473 = arith.constant 0 : i32
        %parallel_loop3A_474 = vector.broadcast %parallel_loop3A_473 : i32 to vector<16xi32>
        %parallel_loop3A_475 = arith.maxsi %parallel_loop3A_472, %parallel_loop3A_474 : vector<16xi32>
        %parallel_loop3A_476 = tpu.vector_load_idx %arg6[%parallel_loop3A_475] : memref<32xf32, #tpu.memory_space<vmem>>[vector<16xi32>], vector<16xf32>,
        %parallel_loop3A_477 = arith.constant 99968 : i32
        %parallel_loop3A_478 = vector.broadcast %parallel_loop3A_477 : i32 to vector<16xi32>
        %parallel_loop3A_479 = arith.cmpi sge, %parallel_loop3A_462, %parallel_loop3A_478 : vector<16xi32>
        %parallel_loop3A_480 = arith.select %parallel_loop3A_479, %parallel_loop3A_476, %parallel_loop3A_469 : vector<16xi1>, vector<16xf32>
        %parallel_loop3A_481 = vector.broadcast %parallel_loop3A_460 : i32 to vector<16xi32>
        %parallel_loop3A_482 = arith.addi %parallel_loop3A_481, %iota3A : vector<16xi32>
        %parallel_loop3A_483 = arith.constant 49920 : i32
        %parallel_loop3A_484 = vector.broadcast %parallel_loop3A_483 : i32 to vector<16xi32>
        %parallel_loop3A_485 = arith.cmpi sge, %parallel_loop3A_462, %parallel_loop3A_484 : vector<16xi32>
        tpu.vector_store_idx %arg9[%parallel_loop3A_482], %parallel_loop3A_480 masked %parallel_loop3A_485 : memref<4096xf32, #tpu.memory_space<vmem>>[vector<16xi32>], vector<16xf32>, vector<16xi1>
      } {sc.loop_unroll_factor = 8 : i64, sc.parallel_access}
      %mul3A_328 = arith.constant 32 : i32
      %mul3A_329 = arith.muli %scan3A_54, %mul3A_328 : i32
      %add3A_330 = arith.addi %mul3A_329, %add3A : i32
      %dma_start3A_331 = arith.constant 0 : i32
      %dma_start3A_332 = tpu.memref_slice %arg4[%add3A_330, %dma_start3A_331] : memref<832x16384xf32, #tpu.memory_space<hbm>> -> memref<1x4096xf32, #tpu.memory_space<hbm>>
      %dma_start3A_333 = tpu.memref_squeeze %dma_start3A_332 : memref<1x4096xf32, #tpu.memory_space<hbm>> -> memref<4096xf32, #tpu.memory_space<hbm>>
      %dma_start3A_334 = arith.constant 0 : i32
      %dma_start3A_335 = tpu.memref_slice %arg4[%add3A_330, %dma_start3A_334] : memref<832x16384xf32, #tpu.memory_space<hbm>> -> memref<1x4096xf32, #tpu.memory_space<hbm>>
      %dma_start3A_336 = tpu.memref_squeeze %dma_start3A_335 : memref<1x4096xf32, #tpu.memory_space<hbm>> -> memref<4096xf32, #tpu.memory_space<hbm>>
      tpu.enqueue_dma source(%arg9 : memref<4096xf32, #tpu.memory_space<vmem>>) target(%dma_start3A_336 : memref<4096xf32, #tpu.memory_space<hbm>>) target_semaphore(%arg16 : memref<!tpu.dma_semaphore, #tpu.memory_space<semaphore_mem>>)
      %dma_wait3A_337 = arith.constant 4096 : i32
      %dma_wait3A_338 = tpu.memref_slice %arg3[%scan3A_54, %dma_wait3A_337] : memref<26x16384xi32, #tpu.memory_space<hbm>> -> memref<1x4096xi32, #tpu.memory_space<hbm>>
      %dma_wait3A_339 = tpu.memref_squeeze %dma_wait3A_338 : memref<1x4096xi32, #tpu.memory_space<hbm>> -> memref<4096xi32, #tpu.memory_space<hbm>>
      %dma_wait3A_340 = arith.constant 4096 : i32
      %dma_wait3A_341 = tpu.memref_slice %arg3[%scan3A_54, %dma_wait3A_340] : memref<26x16384xi32, #tpu.memory_space<hbm>> -> memref<1x4096xi32, #tpu.memory_space<hbm>>
      %dma_wait3A_342 = tpu.memref_squeeze %dma_wait3A_341 : memref<1x4096xi32, #tpu.memory_space<hbm>> -> memref<4096xi32, #tpu.memory_space<hbm>>
      tpu.wait_dma2 semaphore(%arg15 : memref<!tpu.dma_semaphore, #tpu.memory_space<semaphore_mem>>) src(%dma_wait3A_342 : memref<4096xi32, #tpu.memory_space<hbm>>) dst(%arg8 : memref<4096xi32, #tpu.memory_space<vmem>>)
      %dma_start3A_343 = arith.constant 8192 : i32
      %dma_start3A_344 = tpu.memref_slice %arg3[%scan3A_54, %dma_start3A_343] : memref<26x16384xi32, #tpu.memory_space<hbm>> -> memref<1x4096xi32, #tpu.memory_space<hbm>>
      %dma_start3A_345 = tpu.memref_squeeze %dma_start3A_344 : memref<1x4096xi32, #tpu.memory_space<hbm>> -> memref<4096xi32, #tpu.memory_space<hbm>>
      %dma_start3A_346 = arith.constant 8192 : i32
      %dma_start3A_347 = tpu.memref_slice %arg3[%scan3A_54, %dma_start3A_346] : memref<26x16384xi32, #tpu.memory_space<hbm>> -> memref<1x4096xi32, #tpu.memory_space<hbm>>
      %dma_start3A_348 = tpu.memref_squeeze %dma_start3A_347 : memref<1x4096xi32, #tpu.memory_space<hbm>> -> memref<4096xi32, #tpu.memory_space<hbm>>
      tpu.enqueue_dma source(%dma_start3A_348 : memref<4096xi32, #tpu.memory_space<hbm>>) target(%arg7 : memref<4096xi32, #tpu.memory_space<vmem>>) target_semaphore(%arg14 : memref<!tpu.dma_semaphore, #tpu.memory_space<semaphore_mem>>)
      %parallel_loop3A_349 = arith.constant 0 : i32
      %parallel_loop3A_350 = arith.constant 4096 : i32
      %parallel_loop3A_351 = arith.constant 16 : i32
      scf.for %parallel_loop3A_460 = %parallel_loop3A_349 to %parallel_loop3A_350 step %parallel_loop3A_351  : i32 {
        %parallel_loop3A_461 = arith.index_cast %parallel_loop3A_460 : i32 to index
        %parallel_loop3A_462 = tpu.vector_load %arg8[%parallel_loop3A_461] {strides = array<i32>} : memref<4096xi32, #tpu.memory_space<vmem>>, vector<16xi32>,
        %parallel_loop3A_463 = arith.constant 99967 : i32
        %parallel_loop3A_464 = vector.broadcast %parallel_loop3A_463 : i32 to vector<16xi32>
        %parallel_loop3A_465 = arith.minsi %parallel_loop3A_462, %parallel_loop3A_464 : vector<16xi32>
        %parallel_loop3A_466 = tpu.vector_load_idx %arg5[%parallel_loop3A_465] : memref<99968xf32, #tpu.memory_space<vmem>>[vector<16xi32>], vector<16xf32>,
        %parallel_loop3A_467 = arith.index_cast %parallel_loop3A_460 : i32 to index
        %parallel_loop3A_468 = tpu.vector_load %arg10[%parallel_loop3A_467] {strides = array<i32>} : memref<4096xf32, #tpu.memory_space<vmem>>, vector<16xf32>,
        tpu.vector_store %arg10[%parallel_loop3A_467], %parallel_loop3A_466 {strides = array<i32>} : memref<4096xf32, #tpu.memory_space<vmem>>, vector<16xf32>,
      } {sc.loop_unroll_factor = 8 : i64, sc.parallel_access}
      %parallel_loop3A_352 = arith.constant 0 : i32
      %parallel_loop3A_353 = arith.constant 4096 : i32
      %parallel_loop3A_354 = arith.constant 16 : i32
      scf.for %parallel_loop3A_460 = %parallel_loop3A_352 to %parallel_loop3A_353 step %parallel_loop3A_354  : i32 {
        %parallel_loop3A_461 = arith.index_cast %parallel_loop3A_460 : i32 to index
        %parallel_loop3A_462 = tpu.vector_load %arg8[%parallel_loop3A_461] {strides = array<i32>} : memref<4096xi32, #tpu.memory_space<vmem>>, vector<16xi32>,
        %parallel_loop3A_463 = arith.constant 49920 : i32
        %parallel_loop3A_464 = vector.broadcast %parallel_loop3A_463 : i32 to vector<16xi32>
        %parallel_loop3A_465 = arith.maxsi %parallel_loop3A_462, %parallel_loop3A_464 : vector<16xi32>
        %parallel_loop3A_466 = arith.constant 99967 : i32
        %parallel_loop3A_467 = vector.broadcast %parallel_loop3A_466 : i32 to vector<16xi32>
        %parallel_loop3A_468 = arith.minsi %parallel_loop3A_465, %parallel_loop3A_467 : vector<16xi32>
        %parallel_loop3A_469 = tpu.vector_load_idx %arg5[%parallel_loop3A_468] : memref<99968xf32, #tpu.memory_space<vmem>>[vector<16xi32>], vector<16xf32>,
        %parallel_loop3A_470 = arith.constant 99968 : i32
        %parallel_loop3A_471 = vector.broadcast %parallel_loop3A_470 : i32 to vector<16xi32>
        %parallel_loop3A_472 = arith.subi %parallel_loop3A_462, %parallel_loop3A_471 : vector<16xi32>
        %parallel_loop3A_473 = arith.constant 0 : i32
        %parallel_loop3A_474 = vector.broadcast %parallel_loop3A_473 : i32 to vector<16xi32>
        %parallel_loop3A_475 = arith.maxsi %parallel_loop3A_472, %parallel_loop3A_474 : vector<16xi32>
        %parallel_loop3A_476 = tpu.vector_load_idx %arg6[%parallel_loop3A_475] : memref<32xf32, #tpu.memory_space<vmem>>[vector<16xi32>], vector<16xf32>,
        %parallel_loop3A_477 = arith.constant 99968 : i32
        %parallel_loop3A_478 = vector.broadcast %parallel_loop3A_477 : i32 to vector<16xi32>
        %parallel_loop3A_479 = arith.cmpi sge, %parallel_loop3A_462, %parallel_loop3A_478 : vector<16xi32>
        %parallel_loop3A_480 = arith.select %parallel_loop3A_479, %parallel_loop3A_476, %parallel_loop3A_469 : vector<16xi1>, vector<16xf32>
        %parallel_loop3A_481 = vector.broadcast %parallel_loop3A_460 : i32 to vector<16xi32>
        %parallel_loop3A_482 = arith.addi %parallel_loop3A_481, %iota3A : vector<16xi32>
        %parallel_loop3A_483 = arith.constant 49920 : i32
        %parallel_loop3A_484 = vector.broadcast %parallel_loop3A_483 : i32 to vector<16xi32>
        %parallel_loop3A_485 = arith.cmpi sge, %parallel_loop3A_462, %parallel_loop3A_484 : vector<16xi32>
        tpu.vector_store_idx %arg10[%parallel_loop3A_482], %parallel_loop3A_480 masked %parallel_loop3A_485 : memref<4096xf32, #tpu.memory_space<vmem>>[vector<16xi32>], vector<16xf32>, vector<16xi1>
      } {sc.loop_unroll_factor = 8 : i64, sc.parallel_access}
      %mul3A_355 = arith.constant 32 : i32
      %mul3A_356 = arith.muli %scan3A_54, %mul3A_355 : i32
      %add3A_357 = arith.addi %mul3A_356, %add3A : i32
      %dma_start3A_358 = arith.constant 4096 : i32
      %dma_start3A_359 = tpu.memref_slice %arg4[%add3A_357, %dma_start3A_358] : memref<832x16384xf32, #tpu.memory_space<hbm>> -> memref<1x4096xf32, #tpu.memory_space<hbm>>
      %dma_start3A_360 = tpu.memref_squeeze %dma_start3A_359 : memref<1x4096xf32, #tpu.memory_space<hbm>> -> memref<4096xf32, #tpu.memory_space<hbm>>
      %dma_start3A_361 = arith.constant 4096 : i32
      %dma_start3A_362 = tpu.memref_slice %arg4[%add3A_357, %dma_start3A_361] : memref<832x16384xf32, #tpu.memory_space<hbm>> -> memref<1x4096xf32, #tpu.memory_space<hbm>>
      %dma_start3A_363 = tpu.memref_squeeze %dma_start3A_362 : memref<1x4096xf32, #tpu.memory_space<hbm>> -> memref<4096xf32, #tpu.memory_space<hbm>>
      tpu.enqueue_dma source(%arg10 : memref<4096xf32, #tpu.memory_space<vmem>>) target(%dma_start3A_363 : memref<4096xf32, #tpu.memory_space<hbm>>) target_semaphore(%arg17 : memref<!tpu.dma_semaphore, #tpu.memory_space<semaphore_mem>>)
      %dma_wait3A_364 = arith.constant 8192 : i32
      %dma_wait3A_365 = tpu.memref_slice %arg3[%scan3A_54, %dma_wait3A_364] : memref<26x16384xi32, #tpu.memory_space<hbm>> -> memref<1x4096xi32, #tpu.memory_space<hbm>>
      %dma_wait3A_366 = tpu.memref_squeeze %dma_wait3A_365 : memref<1x4096xi32, #tpu.memory_space<hbm>> -> memref<4096xi32, #tpu.memory_space<hbm>>
      %dma_wait3A_367 = arith.constant 8192 : i32
      %dma_wait3A_368 = tpu.memref_slice %arg3[%scan3A_54, %dma_wait3A_367] : memref<26x16384xi32, #tpu.memory_space<hbm>> -> memref<1x4096xi32, #tpu.memory_space<hbm>>
      %dma_wait3A_369 = tpu.memref_squeeze %dma_wait3A_368 : memref<1x4096xi32, #tpu.memory_space<hbm>> -> memref<4096xi32, #tpu.memory_space<hbm>>
      tpu.wait_dma2 semaphore(%arg14 : memref<!tpu.dma_semaphore, #tpu.memory_space<semaphore_mem>>) src(%dma_wait3A_369 : memref<4096xi32, #tpu.memory_space<hbm>>) dst(%arg7 : memref<4096xi32, #tpu.memory_space<vmem>>)
      %dma_start3A_370 = arith.constant 12288 : i32
      %dma_start3A_371 = tpu.memref_slice %arg3[%scan3A_54, %dma_start3A_370] : memref<26x16384xi32, #tpu.memory_space<hbm>> -> memref<1x4096xi32, #tpu.memory_space<hbm>>
      %dma_start3A_372 = tpu.memref_squeeze %dma_start3A_371 : memref<1x4096xi32, #tpu.memory_space<hbm>> -> memref<4096xi32, #tpu.memory_space<hbm>>
      %dma_start3A_373 = arith.constant 12288 : i32
      %dma_start3A_374 = tpu.memref_slice %arg3[%scan3A_54, %dma_start3A_373] : memref<26x16384xi32, #tpu.memory_space<hbm>> -> memref<1x4096xi32, #tpu.memory_space<hbm>>
      %dma_start3A_375 = tpu.memref_squeeze %dma_start3A_374 : memref<1x4096xi32, #tpu.memory_space<hbm>> -> memref<4096xi32, #tpu.memory_space<hbm>>
      tpu.enqueue_dma source(%dma_start3A_375 : memref<4096xi32, #tpu.memory_space<hbm>>) target(%arg8 : memref<4096xi32, #tpu.memory_space<vmem>>) target_semaphore(%arg15 : memref<!tpu.dma_semaphore, #tpu.memory_space<semaphore_mem>>)
      %mul3A_376 = arith.constant 32 : i32
      %mul3A_377 = arith.muli %scan3A_54, %mul3A_376 : i32
      %add3A_378 = arith.addi %mul3A_377, %add3A : i32
      %dma_wait3A_379 = arith.constant 0 : i32
      %dma_wait3A_380 = tpu.memref_slice %arg4[%add3A_378, %dma_wait3A_379] : memref<832x16384xf32, #tpu.memory_space<hbm>> -> memref<1x4096xf32, #tpu.memory_space<hbm>>
      %dma_wait3A_381 = tpu.memref_squeeze %dma_wait3A_380 : memref<1x4096xf32, #tpu.memory_space<hbm>> -> memref<4096xf32, #tpu.memory_space<hbm>>
      %dma_wait3A_382 = arith.constant 0 : i32
      %dma_wait3A_383 = tpu.memref_slice %arg4[%add3A_378, %dma_wait3A_382] : memref<832x16384xf32, #tpu.memory_space<hbm>> -> memref<1x4096xf32, #tpu.memory_space<hbm>>
      %dma_wait3A_384 = tpu.memref_squeeze %dma_wait3A_383 : memref<1x4096xf32, #tpu.memory_space<hbm>> -> memref<4096xf32, #tpu.memory_space<hbm>>
      tpu.wait_dma2 semaphore(%arg16 : memref<!tpu.dma_semaphore, #tpu.memory_space<semaphore_mem>>) src(%arg9 : memref<4096xf32, #tpu.memory_space<vmem>>) dst(%dma_wait3A_384 : memref<4096xf32, #tpu.memory_space<hbm>>)
      %parallel_loop3A_385 = arith.constant 0 : i32
      %parallel_loop3A_386 = arith.constant 4096 : i32
      %parallel_loop3A_387 = arith.constant 16 : i32
      scf.for %parallel_loop3A_460 = %parallel_loop3A_385 to %parallel_loop3A_386 step %parallel_loop3A_387  : i32 {
        %parallel_loop3A_461 = arith.index_cast %parallel_loop3A_460 : i32 to index
        %parallel_loop3A_462 = tpu.vector_load %arg7[%parallel_loop3A_461] {strides = array<i32>} : memref<4096xi32, #tpu.memory_space<vmem>>, vector<16xi32>,
        %parallel_loop3A_463 = arith.constant 99967 : i32
        %parallel_loop3A_464 = vector.broadcast %parallel_loop3A_463 : i32 to vector<16xi32>
        %parallel_loop3A_465 = arith.minsi %parallel_loop3A_462, %parallel_loop3A_464 : vector<16xi32>
        %parallel_loop3A_466 = tpu.vector_load_idx %arg5[%parallel_loop3A_465] : memref<99968xf32, #tpu.memory_space<vmem>>[vector<16xi32>], vector<16xf32>,
        %parallel_loop3A_467 = arith.index_cast %parallel_loop3A_460 : i32 to index
        %parallel_loop3A_468 = tpu.vector_load %arg9[%parallel_loop3A_467] {strides = array<i32>} : memref<4096xf32, #tpu.memory_space<vmem>>, vector<16xf32>,
        tpu.vector_store %arg9[%parallel_loop3A_467], %parallel_loop3A_466 {strides = array<i32>} : memref<4096xf32, #tpu.memory_space<vmem>>, vector<16xf32>,
      } {sc.loop_unroll_factor = 8 : i64, sc.parallel_access}
      %parallel_loop3A_388 = arith.constant 0 : i32
      %parallel_loop3A_389 = arith.constant 4096 : i32
      %parallel_loop3A_390 = arith.constant 16 : i32
      scf.for %parallel_loop3A_460 = %parallel_loop3A_388 to %parallel_loop3A_389 step %parallel_loop3A_390  : i32 {
        %parallel_loop3A_461 = arith.index_cast %parallel_loop3A_460 : i32 to index
        %parallel_loop3A_462 = tpu.vector_load %arg7[%parallel_loop3A_461] {strides = array<i32>} : memref<4096xi32, #tpu.memory_space<vmem>>, vector<16xi32>,
        %parallel_loop3A_463 = arith.constant 49920 : i32
        %parallel_loop3A_464 = vector.broadcast %parallel_loop3A_463 : i32 to vector<16xi32>
        %parallel_loop3A_465 = arith.maxsi %parallel_loop3A_462, %parallel_loop3A_464 : vector<16xi32>
        %parallel_loop3A_466 = arith.constant 99967 : i32
        %parallel_loop3A_467 = vector.broadcast %parallel_loop3A_466 : i32 to vector<16xi32>
        %parallel_loop3A_468 = arith.minsi %parallel_loop3A_465, %parallel_loop3A_467 : vector<16xi32>
        %parallel_loop3A_469 = tpu.vector_load_idx %arg5[%parallel_loop3A_468] : memref<99968xf32, #tpu.memory_space<vmem>>[vector<16xi32>], vector<16xf32>,
        %parallel_loop3A_470 = arith.constant 99968 : i32
        %parallel_loop3A_471 = vector.broadcast %parallel_loop3A_470 : i32 to vector<16xi32>
        %parallel_loop3A_472 = arith.subi %parallel_loop3A_462, %parallel_loop3A_471 : vector<16xi32>
        %parallel_loop3A_473 = arith.constant 0 : i32
        %parallel_loop3A_474 = vector.broadcast %parallel_loop3A_473 : i32 to vector<16xi32>
        %parallel_loop3A_475 = arith.maxsi %parallel_loop3A_472, %parallel_loop3A_474 : vector<16xi32>
        %parallel_loop3A_476 = tpu.vector_load_idx %arg6[%parallel_loop3A_475] : memref<32xf32, #tpu.memory_space<vmem>>[vector<16xi32>], vector<16xf32>,
        %parallel_loop3A_477 = arith.constant 99968 : i32
        %parallel_loop3A_478 = vector.broadcast %parallel_loop3A_477 : i32 to vector<16xi32>
        %parallel_loop3A_479 = arith.cmpi sge, %parallel_loop3A_462, %parallel_loop3A_478 : vector<16xi32>
        %parallel_loop3A_480 = arith.select %parallel_loop3A_479, %parallel_loop3A_476, %parallel_loop3A_469 : vector<16xi1>, vector<16xf32>
        %parallel_loop3A_481 = vector.broadcast %parallel_loop3A_460 : i32 to vector<16xi32>
        %parallel_loop3A_482 = arith.addi %parallel_loop3A_481, %iota3A : vector<16xi32>
        %parallel_loop3A_483 = arith.constant 49920 : i32
        %parallel_loop3A_484 = vector.broadcast %parallel_loop3A_483 : i32 to vector<16xi32>
        %parallel_loop3A_485 = arith.cmpi sge, %parallel_loop3A_462, %parallel_loop3A_484 : vector<16xi32>
        tpu.vector_store_idx %arg9[%parallel_loop3A_482], %parallel_loop3A_480 masked %parallel_loop3A_485 : memref<4096xf32, #tpu.memory_space<vmem>>[vector<16xi32>], vector<16xf32>, vector<16xi1>
      } {sc.loop_unroll_factor = 8 : i64, sc.parallel_access}
      %mul3A_391 = arith.constant 32 : i32
      %mul3A_392 = arith.muli %scan3A_54, %mul3A_391 : i32
      %add3A_393 = arith.addi %mul3A_392, %add3A : i32
      %dma_start3A_394 = arith.constant 8192 : i32
      %dma_start3A_395 = tpu.memref_slice %arg4[%add3A_393, %dma_start3A_394] : memref<832x16384xf32, #tpu.memory_space<hbm>> -> memref<1x4096xf32, #tpu.memory_space<hbm>>
      %dma_start3A_396 = tpu.memref_squeeze %dma_start3A_395 : memref<1x4096xf32, #tpu.memory_space<hbm>> -> memref<4096xf32, #tpu.memory_space<hbm>>
      %dma_start3A_397 = arith.constant 8192 : i32
      %dma_start3A_398 = tpu.memref_slice %arg4[%add3A_393, %dma_start3A_397] : memref<832x16384xf32, #tpu.memory_space<hbm>> -> memref<1x4096xf32, #tpu.memory_space<hbm>>
      %dma_start3A_399 = tpu.memref_squeeze %dma_start3A_398 : memref<1x4096xf32, #tpu.memory_space<hbm>> -> memref<4096xf32, #tpu.memory_space<hbm>>
      tpu.enqueue_dma source(%arg9 : memref<4096xf32, #tpu.memory_space<vmem>>) target(%dma_start3A_399 : memref<4096xf32, #tpu.memory_space<hbm>>) target_semaphore(%arg16 : memref<!tpu.dma_semaphore, #tpu.memory_space<semaphore_mem>>)
      %dma_wait3A_400 = arith.constant 12288 : i32
      %dma_wait3A_401 = tpu.memref_slice %arg3[%scan3A_54, %dma_wait3A_400] : memref<26x16384xi32, #tpu.memory_space<hbm>> -> memref<1x4096xi32, #tpu.memory_space<hbm>>
      %dma_wait3A_402 = tpu.memref_squeeze %dma_wait3A_401 : memref<1x4096xi32, #tpu.memory_space<hbm>> -> memref<4096xi32, #tpu.memory_space<hbm>>
      %dma_wait3A_403 = arith.constant 12288 : i32
      %dma_wait3A_404 = tpu.memref_slice %arg3[%scan3A_54, %dma_wait3A_403] : memref<26x16384xi32, #tpu.memory_space<hbm>> -> memref<1x4096xi32, #tpu.memory_space<hbm>>
      %dma_wait3A_405 = tpu.memref_squeeze %dma_wait3A_404 : memref<1x4096xi32, #tpu.memory_space<hbm>> -> memref<4096xi32, #tpu.memory_space<hbm>>
      tpu.wait_dma2 semaphore(%arg15 : memref<!tpu.dma_semaphore, #tpu.memory_space<semaphore_mem>>) src(%dma_wait3A_405 : memref<4096xi32, #tpu.memory_space<hbm>>) dst(%arg8 : memref<4096xi32, #tpu.memory_space<vmem>>)
      %add3A_406 = arith.constant 1 : i32
      %add3A_407 = arith.addi %scan3A_54, %add3A_406 : i32
      %lt3A_408 = arith.constant 26 : i32
      %lt3A_409 = arith.cmpi slt, %add3A_407, %lt3A_408 : i32
      %convert_element_type3A = arith.extui %lt3A_409 : i1 to i32
      %cond3A = arith.constant 0 : i32
      %cond3A_410 = arith.cmpi ne, %convert_element_type3A, %cond3A : i32
      scf.if %cond3A_410 {
        %add3A_460 = arith.constant 1 : i32
        %add3A_461 = arith.addi %scan3A_54, %add3A_460 : i32
        %dma_start3A_462 = arith.constant 0 : i32
        %dma_start3A_463 = tpu.memref_slice %arg3[%add3A_461, %dma_start3A_462] : memref<26x16384xi32, #tpu.memory_space<hbm>> -> memref<1x4096xi32, #tpu.memory_space<hbm>>
        %dma_start3A_464 = tpu.memref_squeeze %dma_start3A_463 : memref<1x4096xi32, #tpu.memory_space<hbm>> -> memref<4096xi32, #tpu.memory_space<hbm>>
        %dma_start3A_465 = arith.constant 0 : i32
        %dma_start3A_466 = tpu.memref_slice %arg3[%add3A_461, %dma_start3A_465] : memref<26x16384xi32, #tpu.memory_space<hbm>> -> memref<1x4096xi32, #tpu.memory_space<hbm>>
        %dma_start3A_467 = tpu.memref_squeeze %dma_start3A_466 : memref<1x4096xi32, #tpu.memory_space<hbm>> -> memref<4096xi32, #tpu.memory_space<hbm>>
        tpu.enqueue_dma source(%dma_start3A_467 : memref<4096xi32, #tpu.memory_space<hbm>>) target(%arg7 : memref<4096xi32, #tpu.memory_space<vmem>>) target_semaphore(%arg14 : memref<!tpu.dma_semaphore, #tpu.memory_space<semaphore_mem>>)
      } else {
      }
      %mul3A_411 = arith.constant 32 : i32
      %mul3A_412 = arith.muli %scan3A_54, %mul3A_411 : i32
      %add3A_413 = arith.addi %mul3A_412, %add3A : i32
      %dma_wait3A_414 = arith.constant 4096 : i32
      %dma_wait3A_415 = tpu.memref_slice %arg4[%add3A_413, %dma_wait3A_414] : memref<832x16384xf32, #tpu.memory_space<hbm>> -> memref<1x4096xf32, #tpu.memory_space<hbm>>
      %dma_wait3A_416 = tpu.memref_squeeze %dma_wait3A_415 : memref<1x4096xf32, #tpu.memory_space<hbm>> -> memref<4096xf32, #tpu.memory_space<hbm>>
      %dma_wait3A_417 = arith.constant 4096 : i32
      %dma_wait3A_418 = tpu.memref_slice %arg4[%add3A_413, %dma_wait3A_417] : memref<832x16384xf32, #tpu.memory_space<hbm>> -> memref<1x4096xf32, #tpu.memory_space<hbm>>
      %dma_wait3A_419 = tpu.memref_squeeze %dma_wait3A_418 : memref<1x4096xf32, #tpu.memory_space<hbm>> -> memref<4096xf32, #tpu.memory_space<hbm>>
      tpu.wait_dma2 semaphore(%arg17 : memref<!tpu.dma_semaphore, #tpu.memory_space<semaphore_mem>>) src(%arg10 : memref<4096xf32, #tpu.memory_space<vmem>>) dst(%dma_wait3A_419 : memref<4096xf32, #tpu.memory_space<hbm>>)
      %parallel_loop3A_420 = arith.constant 0 : i32
      %parallel_loop3A_421 = arith.constant 4096 : i32
      %parallel_loop3A_422 = arith.constant 16 : i32
      scf.for %parallel_loop3A_460 = %parallel_loop3A_420 to %parallel_loop3A_421 step %parallel_loop3A_422  : i32 {
        %parallel_loop3A_461 = arith.index_cast %parallel_loop3A_460 : i32 to index
        %parallel_loop3A_462 = tpu.vector_load %arg8[%parallel_loop3A_461] {strides = array<i32>} : memref<4096xi32, #tpu.memory_space<vmem>>, vector<16xi32>,
        %parallel_loop3A_463 = arith.constant 99967 : i32
        %parallel_loop3A_464 = vector.broadcast %parallel_loop3A_463 : i32 to vector<16xi32>
        %parallel_loop3A_465 = arith.minsi %parallel_loop3A_462, %parallel_loop3A_464 : vector<16xi32>
        %parallel_loop3A_466 = tpu.vector_load_idx %arg5[%parallel_loop3A_465] : memref<99968xf32, #tpu.memory_space<vmem>>[vector<16xi32>], vector<16xf32>,
        %parallel_loop3A_467 = arith.index_cast %parallel_loop3A_460 : i32 to index
        %parallel_loop3A_468 = tpu.vector_load %arg10[%parallel_loop3A_467] {strides = array<i32>} : memref<4096xf32, #tpu.memory_space<vmem>>, vector<16xf32>,
        tpu.vector_store %arg10[%parallel_loop3A_467], %parallel_loop3A_466 {strides = array<i32>} : memref<4096xf32, #tpu.memory_space<vmem>>, vector<16xf32>,
      } {sc.loop_unroll_factor = 8 : i64, sc.parallel_access}
      %add3A_423 = arith.constant 1 : i32
      %add3A_424 = arith.addi %scan3A_54, %add3A_423 : i32
      %lt3A_425 = arith.constant 26 : i32
      %lt3A_426 = arith.cmpi slt, %add3A_424, %lt3A_425 : i32
      %convert_element_type3A_427 = arith.extui %lt3A_426 : i1 to i32
      %cond3A_428 = arith.constant 0 : i32
      %cond3A_429 = arith.cmpi ne, %convert_element_type3A_427, %cond3A_428 : i32
      scf.if %cond3A_429 {
        %add3A_460 = arith.constant 1 : i32
        %add3A_461 = arith.addi %scan3A_54, %add3A_460 : i32
        %mul3A_462 = arith.constant 32 : i32
        %mul3A_463 = arith.muli %add3A_461, %mul3A_462 : i32
        %add3A_464 = arith.addi %mul3A_463, %add3A : i32
        %jit3A_465 = arith.constant 8 : i32
        %div3A_466 = arith.divsi %add3A_464, %jit3A_465 : i32
        %sign3A_467 = arith.constant 0 : i32
        %sign3A_468 = arith.cmpi sgt, %add3A_464, %sign3A_467 : i32
        %sign3A_469 = arith.extui %sign3A_468 : i1 to i32
        %sign3A_470 = arith.constant 0 : i32
        %sign3A_471 = arith.cmpi slt, %add3A_464, %sign3A_470 : i32
        %sign3A_472 = arith.extui %sign3A_471 : i1 to i32
        %sign3A_473 = arith.subi %sign3A_469, %sign3A_472 : i32
        %sign3A_474 = arith.constant 0 : i32
        %sign3A_475 = arith.cmpi sgt, %jit3A_465, %sign3A_474 : i32
        %sign3A_476 = arith.extui %sign3A_475 : i1 to i32
        %sign3A_477 = arith.constant 0 : i32
        %sign3A_478 = arith.cmpi slt, %jit3A_465, %sign3A_477 : i32
        %sign3A_479 = arith.extui %sign3A_478 : i1 to i32
        %sign3A_480 = arith.subi %sign3A_476, %sign3A_479 : i32
        %ne3A_481 = arith.cmpi ne, %sign3A_473, %sign3A_480 : i32
        %rem3A_482 = arith.remsi %add3A_464, %jit3A_465 : i32
        %ne3A_483 = arith.constant 0 : i32
        %ne3A_484 = arith.cmpi ne, %rem3A_482, %ne3A_483 : i32
        %and3A_485 = arith.andi %ne3A_481, %ne3A_484 : i1
        %sub3A_486 = arith.constant 1 : i32
        %sub3A_487 = arith.subi %div3A_466, %sub3A_486 : i32
        %select_n3A_488 = arith.select %and3A_485, %sub3A_487, %div3A_466 : i32
        %jit3A_489 = arith.constant 8 : i32
        %eq3A_490 = arith.constant 0 : i32
        %eq3A_491 = arith.cmpi eq, %jit3A_489, %eq3A_490 : i32
        %jit3A_492 = arith.constant 1 : i32
        %select_n3A_493 = arith.select %eq3A_491, %jit3A_492, %jit3A_489 : i32
        %rem3A_494 = arith.remsi %add3A_464, %select_n3A_493 : i32
        %ne3A_495 = arith.constant 0 : i32
        %ne3A_496 = arith.cmpi ne, %rem3A_494, %ne3A_495 : i32
        %lt3A_497 = arith.constant 0 : i32
        %lt3A_498 = arith.cmpi slt, %rem3A_494, %lt3A_497 : i32
        %lt3A_499 = arith.constant 0 : i32
        %lt3A_500 = arith.cmpi slt, %select_n3A_493, %lt3A_499 : i32
        %ne3A_501 = arith.xori %lt3A_498, %lt3A_500 : i1
        %and3A_502 = arith.andi %ne3A_501, %ne3A_496 : i1
        %add3A_503 = arith.addi %rem3A_494, %select_n3A_493 : i32
        %select_n3A_504 = arith.select %and3A_502, %add3A_503, %rem3A_494 : i32
        %dma_start3A_505 = arith.constant 0 : i32
        %dma_start3A_506 = tpu.memref_slice %arg5[%dma_start3A_505] : memref<99968xf32, #tpu.memory_space<vmem>> -> memref<49920xf32, #tpu.memory_space<vmem>>
        %dma_start3A_507 = arith.constant 0 : i32
        %dma_start3A_508 = tpu.memref_slice %arg2[%select_n3A_488, %select_n3A_504, %dma_start3A_507] : memref<104x8x100000xf32, #tpu.memory_space<hbm>> -> memref<1x1x49920xf32, #tpu.memory_space<hbm>>
        %dma_start3A_509 = tpu.memref_squeeze %dma_start3A_508 : memref<1x1x49920xf32, #tpu.memory_space<hbm>> -> memref<49920xf32, #tpu.memory_space<hbm>>
        %dma_start3A_510 = arith.constant 0 : i32
        %dma_start3A_511 = tpu.memref_slice %arg5[%dma_start3A_510] : memref<99968xf32, #tpu.memory_space<vmem>> -> memref<49920xf32, #tpu.memory_space<vmem>>
        %dma_start3A_512 = arith.constant 0 : i32
        %dma_start3A_513 = tpu.memref_slice %arg2[%select_n3A_488, %select_n3A_504, %dma_start3A_512] : memref<104x8x100000xf32, #tpu.memory_space<hbm>> -> memref<1x1x49920xf32, #tpu.memory_space<hbm>>
        %dma_start3A_514 = tpu.memref_squeeze %dma_start3A_513 : memref<1x1x49920xf32, #tpu.memory_space<hbm>> -> memref<49920xf32, #tpu.memory_space<hbm>>
        tpu.enqueue_dma source(%dma_start3A_514 : memref<49920xf32, #tpu.memory_space<hbm>>) target(%dma_start3A_511 : memref<49920xf32, #tpu.memory_space<vmem>>) target_semaphore(%arg11 : memref<!tpu.dma_semaphore, #tpu.memory_space<semaphore_mem>>)
      } else {
      }
      %parallel_loop3A_430 = arith.constant 0 : i32
      %parallel_loop3A_431 = arith.constant 4096 : i32
      %parallel_loop3A_432 = arith.constant 16 : i32
      scf.for %parallel_loop3A_460 = %parallel_loop3A_430 to %parallel_loop3A_431 step %parallel_loop3A_432  : i32 {
        %parallel_loop3A_461 = arith.index_cast %parallel_loop3A_460 : i32 to index
        %parallel_loop3A_462 = tpu.vector_load %arg8[%parallel_loop3A_461] {strides = array<i32>} : memref<4096xi32, #tpu.memory_space<vmem>>, vector<16xi32>,
        %parallel_loop3A_463 = arith.constant 49920 : i32
        %parallel_loop3A_464 = vector.broadcast %parallel_loop3A_463 : i32 to vector<16xi32>
        %parallel_loop3A_465 = arith.maxsi %parallel_loop3A_462, %parallel_loop3A_464 : vector<16xi32>
        %parallel_loop3A_466 = arith.constant 99967 : i32
        %parallel_loop3A_467 = vector.broadcast %parallel_loop3A_466 : i32 to vector<16xi32>
        %parallel_loop3A_468 = arith.minsi %parallel_loop3A_465, %parallel_loop3A_467 : vector<16xi32>
        %parallel_loop3A_469 = tpu.vector_load_idx %arg5[%parallel_loop3A_468] : memref<99968xf32, #tpu.memory_space<vmem>>[vector<16xi32>], vector<16xf32>,
        %parallel_loop3A_470 = arith.constant 99968 : i32
        %parallel_loop3A_471 = vector.broadcast %parallel_loop3A_470 : i32 to vector<16xi32>
        %parallel_loop3A_472 = arith.subi %parallel_loop3A_462, %parallel_loop3A_471 : vector<16xi32>
        %parallel_loop3A_473 = arith.constant 0 : i32
        %parallel_loop3A_474 = vector.broadcast %parallel_loop3A_473 : i32 to vector<16xi32>
        %parallel_loop3A_475 = arith.maxsi %parallel_loop3A_472, %parallel_loop3A_474 : vector<16xi32>
        %parallel_loop3A_476 = tpu.vector_load_idx %arg6[%parallel_loop3A_475] : memref<32xf32, #tpu.memory_space<vmem>>[vector<16xi32>], vector<16xf32>,
        %parallel_loop3A_477 = arith.constant 99968 : i32
        %parallel_loop3A_478 = vector.broadcast %parallel_loop3A_477 : i32 to vector<16xi32>
        %parallel_loop3A_479 = arith.cmpi sge, %parallel_loop3A_462, %parallel_loop3A_478 : vector<16xi32>
        %parallel_loop3A_480 = arith.select %parallel_loop3A_479, %parallel_loop3A_476, %parallel_loop3A_469 : vector<16xi1>, vector<16xf32>
        %parallel_loop3A_481 = vector.broadcast %parallel_loop3A_460 : i32 to vector<16xi32>
        %parallel_loop3A_482 = arith.addi %parallel_loop3A_481, %iota3A : vector<16xi32>
        %parallel_loop3A_483 = arith.constant 49920 : i32
        %parallel_loop3A_484 = vector.broadcast %parallel_loop3A_483 : i32 to vector<16xi32>
        %parallel_loop3A_485 = arith.cmpi sge, %parallel_loop3A_462, %parallel_loop3A_484 : vector<16xi32>
        tpu.vector_store_idx %arg10[%parallel_loop3A_482], %parallel_loop3A_480 masked %parallel_loop3A_485 : memref<4096xf32, #tpu.memory_space<vmem>>[vector<16xi32>], vector<16xf32>, vector<16xi1>
      } {sc.loop_unroll_factor = 8 : i64, sc.parallel_access}
      %mul3A_433 = arith.constant 32 : i32
      %mul3A_434 = arith.muli %scan3A_54, %mul3A_433 : i32
      %add3A_435 = arith.addi %mul3A_434, %add3A : i32
      %dma_start3A_436 = arith.constant 12288 : i32
      %dma_start3A_437 = tpu.memref_slice %arg4[%add3A_435, %dma_start3A_436] : memref<832x16384xf32, #tpu.memory_space<hbm>> -> memref<1x4096xf32, #tpu.memory_space<hbm>>
      %dma_start3A_438 = tpu.memref_squeeze %dma_start3A_437 : memref<1x4096xf32, #tpu.memory_space<hbm>> -> memref<4096xf32, #tpu.memory_space<hbm>>
      %dma_start3A_439 = arith.constant 12288 : i32
      %dma_start3A_440 = tpu.memref_slice %arg4[%add3A_435, %dma_start3A_439] : memref<832x16384xf32, #tpu.memory_space<hbm>> -> memref<1x4096xf32, #tpu.memory_space<hbm>>
      %dma_start3A_441 = tpu.memref_squeeze %dma_start3A_440 : memref<1x4096xf32, #tpu.memory_space<hbm>> -> memref<4096xf32, #tpu.memory_space<hbm>>
      tpu.enqueue_dma source(%arg10 : memref<4096xf32, #tpu.memory_space<vmem>>) target(%dma_start3A_441 : memref<4096xf32, #tpu.memory_space<hbm>>) target_semaphore(%arg17 : memref<!tpu.dma_semaphore, #tpu.memory_space<semaphore_mem>>)
      %mul3A_442 = arith.constant 32 : i32
      %mul3A_443 = arith.muli %scan3A_54, %mul3A_442 : i32
      %add3A_444 = arith.addi %mul3A_443, %add3A : i32
      %dma_wait3A_445 = arith.constant 8192 : i32
      %dma_wait3A_446 = tpu.memref_slice %arg4[%add3A_444, %dma_wait3A_445] : memref<832x16384xf32, #tpu.memory_space<hbm>> -> memref<1x4096xf32, #tpu.memory_space<hbm>>
      %dma_wait3A_447 = tpu.memref_squeeze %dma_wait3A_446 : memref<1x4096xf32, #tpu.memory_space<hbm>> -> memref<4096xf32, #tpu.memory_space<hbm>>
      %dma_wait3A_448 = arith.constant 8192 : i32
      %dma_wait3A_449 = tpu.memref_slice %arg4[%add3A_444, %dma_wait3A_448] : memref<832x16384xf32, #tpu.memory_space<hbm>> -> memref<1x4096xf32, #tpu.memory_space<hbm>>
      %dma_wait3A_450 = tpu.memref_squeeze %dma_wait3A_449 : memref<1x4096xf32, #tpu.memory_space<hbm>> -> memref<4096xf32, #tpu.memory_space<hbm>>
      tpu.wait_dma2 semaphore(%arg16 : memref<!tpu.dma_semaphore, #tpu.memory_space<semaphore_mem>>) src(%arg9 : memref<4096xf32, #tpu.memory_space<vmem>>) dst(%dma_wait3A_450 : memref<4096xf32, #tpu.memory_space<hbm>>)
      %mul3A_451 = arith.constant 32 : i32
      %mul3A_452 = arith.muli %scan3A_54, %mul3A_451 : i32
      %add3A_453 = arith.addi %mul3A_452, %add3A : i32
      %dma_wait3A_454 = arith.constant 12288 : i32
      %dma_wait3A_455 = tpu.memref_slice %arg4[%add3A_453, %dma_wait3A_454] : memref<832x16384xf32, #tpu.memory_space<hbm>> -> memref<1x4096xf32, #tpu.memory_space<hbm>>
      %dma_wait3A_456 = tpu.memref_squeeze %dma_wait3A_455 : memref<1x4096xf32, #tpu.memory_space<hbm>> -> memref<4096xf32, #tpu.memory_space<hbm>>
      %dma_wait3A_457 = arith.constant 12288 : i32
      %dma_wait3A_458 = tpu.memref_slice %arg4[%add3A_453, %dma_wait3A_457] : memref<832x16384xf32, #tpu.memory_space<hbm>> -> memref<1x4096xf32, #tpu.memory_space<hbm>>
      %dma_wait3A_459 = tpu.memref_squeeze %dma_wait3A_458 : memref<1x4096xf32, #tpu.memory_space<hbm>> -> memref<4096xf32, #tpu.memory_space<hbm>>
      tpu.wait_dma2 semaphore(%arg17 : memref<!tpu.dma_semaphore, #tpu.memory_space<semaphore_mem>>) src(%arg10 : memref<4096xf32, #tpu.memory_space<vmem>>) dst(%dma_wait3A_459 : memref<4096xf32, #tpu.memory_space<hbm>>)
    }
    %scan3A_53 = arith.constant 26 : i32
    return
  }
}

module attributes {stable_mosaic.version = 14 : i64} {
  func.func @body(%arg0: i32, %arg1: memref<832x2048xf32, #tpu.memory_space<vmem>>, %arg2: memref<13x2048xf32, #tpu.memory_space<vmem>>, %arg3: memref<832x512xf32, #tpu.memory_space<vmem>>, %arg4: memref<13x512xf32, #tpu.memory_space<vmem>>, %arg5: memref<1x512xf32, #tpu.memory_space<vmem>>, %arg6: memref<512x256xf32, #tpu.memory_space<vmem>>, %arg7: memref<1x256xf32, #tpu.memory_space<vmem>>, %arg8: memref<256x128xf32, #tpu.memory_space<vmem>>, %arg9: memref<1x128xf32, #tpu.memory_space<vmem>>, %arg10: memref<128x1xf32, #tpu.memory_space<vmem>>, %arg11: memref<1x1xf32, #tpu.memory_space<vmem>>, %arg12: memref<1x2048xf32, #tpu.memory_space<vmem>>) attributes {dimension_semantics = [#tpu.dimension_semantics<arbitrary>], iteration_bounds = array<i64: 8>, scalar_prefetch = 0 : i64, scratch_operands = 0 : i64, tpu.core_type = #tpu.core_type<tc>, window_params = [{transform_indices = @transform_0, window_bounds = array<i64: 832, 2048>}, {transform_indices = @transform_1, window_bounds = array<i64: 13, 2048>}, {pipeline_mode = #tpu.pipeline_mode<synchronous>, transform_indices = @transform_2, window_bounds = array<i64: 832, 512>}, {pipeline_mode = #tpu.pipeline_mode<synchronous>, transform_indices = @transform_3, window_bounds = array<i64: 13, 512>}, {pipeline_mode = #tpu.pipeline_mode<synchronous>, transform_indices = @transform_4, window_bounds = array<i64: 1, 512>}, {pipeline_mode = #tpu.pipeline_mode<synchronous>, transform_indices = @transform_5, window_bounds = array<i64: 512, 256>}, {pipeline_mode = #tpu.pipeline_mode<synchronous>, transform_indices = @transform_6, window_bounds = array<i64: 1, 256>}, {pipeline_mode = #tpu.pipeline_mode<synchronous>, transform_indices = @transform_7, window_bounds = array<i64: 256, 128>}, {pipeline_mode = #tpu.pipeline_mode<synchronous>, transform_indices = @transform_8, window_bounds = array<i64: 1, 128>}, {pipeline_mode = #tpu.pipeline_mode<synchronous>, transform_indices = @transform_9, window_bounds = array<i64: 128, 1>}, {pipeline_mode = #tpu.pipeline_mode<synchronous>, transform_indices = @transform_10, window_bounds = array<i64: 1, 1>}, {transform_indices = @transform_11, window_bounds = array<i64: 1, 2048>}]} {
    %get3A = arith.constant 0 : index
    %get3A_0 = arith.constant 0 : index
    %get3A_1 = vector.load %arg1[%get3A, %get3A_0] : memref<832x2048xf32, #tpu.memory_space<vmem>>, vector<832x2048xf32>
    %convert_element_type3A = arith.truncf %get3A_1 : vector<832x2048xf32> to vector<832x2048xbf16>
    %get3A_2 = arith.constant 0 : index
    %get3A_3 = arith.constant 0 : index
    %get3A_4 = vector.load %arg3[%get3A_2, %get3A_3] : memref<832x512xf32, #tpu.memory_space<vmem>>, vector<832x512xf32>
    %convert_element_type3A_5 = arith.truncf %get3A_4 : vector<832x512xf32> to vector<832x512xbf16>
    %dot_general3A = arith.constant dense<0.000000e+00> : vector<2048x512xf32>
    %dot_general3A_6 = tpu.matmul %convert_element_type3A, %convert_element_type3A_5, %dot_general3A {dimension_numbers = #tpu.dot_dimension_numbers<[0], [0], [1], [1], [0, 1, 1, 1], [], []>, transpose_lhs_hint = false} : vector<832x2048xbf16>, vector<832x512xbf16>, vector<2048x512xf32> -> vector<2048x512xf32>
    %get3A_7 = arith.constant 0 : index
    %get3A_8 = arith.constant 0 : index
    %get3A_9 = vector.load %arg2[%get3A_7, %get3A_8] : memref<13x2048xf32, #tpu.memory_space<vmem>>, vector<13x2048xf32>
    %get3A_10 = arith.constant 0 : index
    %get3A_11 = arith.constant 0 : index
    %get3A_12 = vector.load %arg4[%get3A_10, %get3A_11] : memref<13x512xf32, #tpu.memory_space<vmem>>, vector<13x512xf32>
    %dot_general3A_13 = arith.constant dense<0.000000e+00> : vector<2048x512xf32>
    %dot_general3A_14 = tpu.matmul %get3A_9, %get3A_12, %dot_general3A_13 {dimension_numbers = #tpu.dot_dimension_numbers<[0], [0], [1], [1], [0, 1, 1, 1], [], []>, transpose_lhs_hint = false} : vector<13x2048xf32>, vector<13x512xf32>, vector<2048x512xf32> -> vector<2048x512xf32>
    %add3A = arith.addf %dot_general3A_6, %dot_general3A_14 : vector<2048x512xf32>
    %get3A_15 = arith.constant 0 : index
    %get3A_16 = arith.constant 0 : index
    %get3A_17 = vector.load %arg5[%get3A_15, %get3A_16] : memref<1x512xf32, #tpu.memory_space<vmem>>, vector<1x512xf32>
    %add3A_18 = vector.broadcast %get3A_17 : vector<1x512xf32> to vector<2048x512xf32>
    %add3A_19 = arith.addf %add3A, %add3A_18 : vector<2048x512xf32>
    %max3A = arith.constant 0.000000e+00 : f32
    %max3A_20 = vector.broadcast %max3A : f32 to vector<2048x512xf32>
    %max3A_21 = arith.maximumf %add3A_19, %max3A_20 : vector<2048x512xf32>
    %convert_element_type3A_22 = arith.truncf %max3A_21 : vector<2048x512xf32> to vector<2048x512xbf16>
    %get3A_23 = arith.constant 0 : index
    %get3A_24 = arith.constant 0 : index
    %get3A_25 = vector.load %arg6[%get3A_23, %get3A_24] : memref<512x256xf32, #tpu.memory_space<vmem>>, vector<512x256xf32>
    %convert_element_type3A_26 = arith.truncf %get3A_25 : vector<512x256xf32> to vector<512x256xbf16>
    %dot_general3A_27 = arith.constant dense<0.000000e+00> : vector<2048x256xf32>
    %dot_general3A_28 = tpu.matmul %convert_element_type3A_22, %convert_element_type3A_26, %dot_general3A_27 {dimension_numbers = #tpu.dot_dimension_numbers<[1], [0], [0], [1], [0, 0, 1, 1], [], []>, transpose_lhs_hint = false} : vector<2048x512xbf16>, vector<512x256xbf16>, vector<2048x256xf32> -> vector<2048x256xf32>
    %get3A_29 = arith.constant 0 : index
    %get3A_30 = arith.constant 0 : index
    %get3A_31 = vector.load %arg7[%get3A_29, %get3A_30] : memref<1x256xf32, #tpu.memory_space<vmem>>, vector<1x256xf32>
    %add3A_32 = vector.broadcast %get3A_31 : vector<1x256xf32> to vector<2048x256xf32>
    %add3A_33 = arith.addf %dot_general3A_28, %add3A_32 : vector<2048x256xf32>
    %max3A_34 = arith.constant 0.000000e+00 : f32
    %max3A_35 = vector.broadcast %max3A_34 : f32 to vector<2048x256xf32>
    %max3A_36 = arith.maximumf %add3A_33, %max3A_35 : vector<2048x256xf32>
    %convert_element_type3A_37 = arith.truncf %max3A_36 : vector<2048x256xf32> to vector<2048x256xbf16>
    %get3A_38 = arith.constant 0 : index
    %get3A_39 = arith.constant 0 : index
    %get3A_40 = vector.load %arg8[%get3A_38, %get3A_39] : memref<256x128xf32, #tpu.memory_space<vmem>>, vector<256x128xf32>
    %convert_element_type3A_41 = arith.truncf %get3A_40 : vector<256x128xf32> to vector<256x128xbf16>
    %dot_general3A_42 = arith.constant dense<0.000000e+00> : vector<2048x128xf32>
    %dot_general3A_43 = tpu.matmul %convert_element_type3A_37, %convert_element_type3A_41, %dot_general3A_42 {dimension_numbers = #tpu.dot_dimension_numbers<[1], [0], [0], [1], [0, 0, 1, 1], [], []>, transpose_lhs_hint = false} : vector<2048x256xbf16>, vector<256x128xbf16>, vector<2048x128xf32> -> vector<2048x128xf32>
    %get3A_44 = arith.constant 0 : index
    %get3A_45 = arith.constant 0 : index
    %get3A_46 = vector.load %arg9[%get3A_44, %get3A_45] : memref<1x128xf32, #tpu.memory_space<vmem>>, vector<1x128xf32>
    %add3A_47 = vector.broadcast %get3A_46 : vector<1x128xf32> to vector<2048x128xf32>
    %add3A_48 = arith.addf %dot_general3A_43, %add3A_47 : vector<2048x128xf32>
    %max3A_49 = arith.constant 0.000000e+00 : f32
    %max3A_50 = vector.broadcast %max3A_49 : f32 to vector<2048x128xf32>
    %max3A_51 = arith.maximumf %add3A_48, %max3A_50 : vector<2048x128xf32>
    %get3A_52 = arith.constant 0 : index
    %get3A_53 = arith.constant 0 : index
    %get3A_54 = vector.load %arg10[%get3A_52, %get3A_53] : memref<128x1xf32, #tpu.memory_space<vmem>>, vector<128x1xf32>
    %dot_general3A_55 = arith.constant dense<0.000000e+00> : vector<1x2048xf32>
    %dot_general3A_56 = tpu.matmul %get3A_54, %max3A_51, %dot_general3A_55 {dimension_numbers = #tpu.dot_dimension_numbers<[0], [1], [1], [0], [0, 1, 1, 0], [], []>, transpose_lhs_hint = false} : vector<128x1xf32>, vector<2048x128xf32>, vector<1x2048xf32> -> vector<1x2048xf32>
    %get3A_57 = arith.constant 0 : index
    %get3A_58 = arith.constant 0 : index
    %get3A_59 = vector.load %arg11[%get3A_57, %get3A_58] : memref<1x1xf32, #tpu.memory_space<vmem>>, vector<1x1xf32>
    %add3A_60 = vector.broadcast %get3A_59 : vector<1x1xf32> to vector<1x2048xf32>
    %add3A_61 = arith.addf %dot_general3A_56, %add3A_60 : vector<1x2048xf32>
    %swap3A = arith.constant 0 : index
    %swap3A_62 = arith.constant 0 : index
    %swap3A_63 = vector.load %arg12[%swap3A, %swap3A_62] : memref<1x2048xf32, #tpu.memory_space<vmem>>, vector<1x2048xf32>
    tpu.vector_store %arg12[%swap3A, %swap3A_62], %add3A_61 {strides = array<i32>} : memref<1x2048xf32, #tpu.memory_space<vmem>>, vector<1x2048xf32>,
    return
  }
  func.func @transform_0(%arg0: i32) -> (i32, i32) {
    %c0_i32 = arith.constant 0 : i32
    %c0_i32_0 = arith.constant 0 : i32
    return %c0_i32, %arg0 : i32, i32
  }
  func.func @transform_1(%arg0: i32) -> (i32, i32) {
    %c0_i32 = arith.constant 0 : i32
    %c0_i32_0 = arith.constant 0 : i32
    return %c0_i32, %arg0 : i32, i32
  }
  func.func @transform_2(%arg0: i32) -> (i32, i32) {
    %c0_i32 = arith.constant 0 : i32
    %c0_i32_0 = arith.constant 0 : i32
    %c0_i32_1 = arith.constant 0 : i32
    return %c0_i32, %c0_i32_0 : i32, i32
  }
  func.func @transform_3(%arg0: i32) -> (i32, i32) {
    %c0_i32 = arith.constant 0 : i32
    %c0_i32_0 = arith.constant 0 : i32
    %c0_i32_1 = arith.constant 0 : i32
    return %c0_i32, %c0_i32_0 : i32, i32
  }
  func.func @transform_4(%arg0: i32) -> (i32, i32) {
    %c0_i32 = arith.constant 0 : i32
    %c0_i32_0 = arith.constant 0 : i32
    %c0_i32_1 = arith.constant 0 : i32
    return %c0_i32, %c0_i32_0 : i32, i32
  }
  func.func @transform_5(%arg0: i32) -> (i32, i32) {
    %c0_i32 = arith.constant 0 : i32
    %c0_i32_0 = arith.constant 0 : i32
    %c0_i32_1 = arith.constant 0 : i32
    return %c0_i32, %c0_i32_0 : i32, i32
  }
  func.func @transform_6(%arg0: i32) -> (i32, i32) {
    %c0_i32 = arith.constant 0 : i32
    %c0_i32_0 = arith.constant 0 : i32
    %c0_i32_1 = arith.constant 0 : i32
    return %c0_i32, %c0_i32_0 : i32, i32
  }
  func.func @transform_7(%arg0: i32) -> (i32, i32) {
    %c0_i32 = arith.constant 0 : i32
    %c0_i32_0 = arith.constant 0 : i32
    %c0_i32_1 = arith.constant 0 : i32
    return %c0_i32, %c0_i32_0 : i32, i32
  }
  func.func @transform_8(%arg0: i32) -> (i32, i32) {
    %c0_i32 = arith.constant 0 : i32
    %c0_i32_0 = arith.constant 0 : i32
    %c0_i32_1 = arith.constant 0 : i32
    return %c0_i32, %c0_i32_0 : i32, i32
  }
  func.func @transform_9(%arg0: i32) -> (i32, i32) {
    %c0_i32 = arith.constant 0 : i32
    %c0_i32_0 = arith.constant 0 : i32
    %c0_i32_1 = arith.constant 0 : i32
    return %c0_i32, %c0_i32_0 : i32, i32
  }
  func.func @transform_10(%arg0: i32) -> (i32, i32) {
    %c0_i32 = arith.constant 0 : i32
    %c0_i32_0 = arith.constant 0 : i32
    %c0_i32_1 = arith.constant 0 : i32
    return %c0_i32, %c0_i32_0 : i32, i32
  }
  func.func @transform_11(%arg0: i32) -> (i32, i32) {
    %c0_i32 = arith.constant 0 : i32
    %c0_i32_0 = arith.constant 0 : i32
    return %c0_i32, %arg0 : i32, i32
  }
}

</mosaic_0001>

<sc_bundles>
// kernel: kernel.4.cloned.1.call-start
scs
__scs_entry_jumppad:
0x0: {  	(pc) =	sbr.rel $0x88, $3  }
0x1: {  	(tag) =	ssettag $0x0;
	lr =	simm.s32 $0x1  }
0x2: {  	[smem:$0x3F96] =	sst lr;
	_ =	strace $0xD0000000  }
0x3: {  	_ = 	snop  }
0x4: {  	_ = 	snop  }
0x5: {  	_ = 	snop  }
0x6: {  	_ = 	snop  }
0x7: {  	_ = 	snop  }
__scs_overlays_trampoline_lowered:
0x8: {  	[smem:$0x3FA5] =	sst s0  }
0x9: {  	[smem:$0x3FA6] =	sst s1  }
0xa: {  	[smem:$0x3FA7] =	sst s2  }
0xb: {  	[smem:$0x3FA8] =	sst s3  }
0xc: {  	[smem:$0x3FA9] =	sst s4  }
0xd: {  	[smem:$0x3FAA] =	sst s5  }
0xe: {  	[smem:$0x3FAB] =	sst s6  }
0xf: {  	[smem:$0x3FAC] =	sst s7  }
0x10: {  	[smem:$0x3FAD] =	sst s8  }
0x11: {  	[smem:$0x3FAE] =	sst s9;
	s0 =	simm.s32 @!p0 $0x0  }
0x12: {  	s1 =	sld [smem:$0x3F94];
	s0 =	simm.s32 @p0 $0x1  }
0x13: {  	[smem:$0x3FAF] =	sst s0;
	s0 =	simm.s32 @!p1 $0x0  }
0x14: {  	s2 =	sld [smem:$0x3F93];
	s0 =	simm.s32 @p1 $0x1  }
0x15: {  	[smem:$0x3FB0] =	sst s0;
	s0 =	simm.s32 @!p2 $0x0  }
0x16: {  	s3 =	sld [smem:$0x3FDB];
	s0 =	simm.s32 @p2 $0x1  }
0x17: {  	s4 =	simm.s32 $0x1BF5;
	[smem:$0x3FB2] =	sst s0  }
0x18: {  	s0 =	sld [smem:$0x3F95];
	_ =	swait.ge [sflag:s4], $0x0  }
0x19: {  	s7 =	sld [smem:$0x3F96]  }
0x1a: {  	s8 =	sadd.s32 $0xFFFFE003, lr  }
0x1b: {  	s9 =	sadd.s32 $0xFFFFFEF7, lr;
	s5 =	simm.s32 $0xFFFFFFFF;
	p2 =	slt.u32 s8, $0xFFFFF086  }
0x1c: {  	p1 =	slt.u32 s9, $0xF7A;
	s5 =	simm.s32 @!p2 $0x0  }
0x1d: {  	s5 =	simm.s32 @p1 $0x1;
	p0 =	seq.s32 s7, s2  }
0x1e: {  	s7 =	smul.u32 @!p0 $0xF7A, s2;
	p2 =	seq.s32 @!p0 s5, $0x0  }
0x1f: {  	s9 =	smul.u32 $0xF7A, s1;
	s8 =	simm.s32 @!p0 $0x1BF5;
	p2 =	por !p2, p0  }
0x20: {  	[sflag:s8] =	ssyncset.s32 @!p0 $0xFFFFF086;
	s6 =	sadd.s32 @!p0 s3, s7;
	s7 =	simm.s32 @!p0 $0x108  }
0x21: {  	s3 =	sadd.s32 s3, s9;
	s6 =	sadd.s32 @!p0 $0x88, s6;
	s7 =	simm.s32 @p2 $0x1082  }
0x22: {  	[simem:s7], [sflag:s8] =	dma.local @!p0 [hbm:s6], $0xF7A  }
0x23: {  	s9 =	sor.u32 $0xD0000000, s2;
	s6 =	simm.s32 $0x108;
	_ =	swait.ge @!p0 [sflag:s8], $0x0  }
0x24: {  	s3 =	sadd.s32 $0x88, s3;
	s6 =	simm.s32 @!p1 $0x1082;
	[sflag:s4] =	ssyncset.s32 $0xFFFFF086  }
0x25: {  	[simem:s6], [sflag:s4] =	dma.local [hbm:s3], $0xF7A  }
0x26: {  	[smem:$0x3F96] =	sst s1;
	(tag) =	ssettag s2;
	_ =	strace s9  }
0x27: {  	s1 =	sld [smem:$0x3FA6]  }
0x28: {  	s2 =	sld [smem:$0x3FA7]  }
0x29: {  	s4 =	sld [smem:$0x3FA9]  }
0x2a: {  	p0 =	seq.s32 s5, $0x0;
	s5 =	sld [smem:$0x3FAA]  }
0x2b: {  	s6 =	sld [smem:$0x3FAB]  }
0x2c: {  	s7 =	sld [smem:$0x3FAC]  }
0x2d: {  	s3 =	simm.s32 $0x108;
	s8 =	sld [smem:$0x3FAD]  }
0x2e: {  	s3 =	simm.s32 @!p0 $0x1082;
	s9 =	sld [smem:$0x3FAE]  }
0x2f: {  	lr =	sadd.s32 s0, s3;
	s0 =	sld [smem:$0x3FA5]  }
0x30: {  	s3 =	sld [smem:$0x3FA8]  }
0x31: {  	[smem:$0x3FB1] =	sst s10  }
0x32: {  	s10 =	sld [smem:$0x3FAF];
	_ =	sdelay $0x3  }
0x33: {  	p0 =	seq.s32 s10, $0x1;
	s10 =	sld [smem:$0x3FB1];
	_ =	sdelay $0x3  }
0x34: {  	[smem:$0x3FB1] =	sst s10  }
0x35: {  	s10 =	sld [smem:$0x3FB0];
	_ =	sdelay $0x3  }
0x36: {  	p1 =	seq.s32 s10, $0x1;
	s10 =	sld [smem:$0x3FB1];
	_ =	sdelay $0x3  }
0x37: {  	[smem:$0x3FB1] =	sst s10  }
0x38: {  	s10 =	sld [smem:$0x3FB2]  }
0x39: {  	_ = 	snop;
	(pc) =	sbr.ind lr, $3  }
0x3a: {  	_ = 	snop  }
0x3b: {  	_ = 	snop  }
0x3c: {  	p2 =	seq.s32 s10, $0x1;
	s10 =	sld [smem:$0x3FB1]  }
0x3d: {  	_ =	shalt  }
0x3e: {  	_ =	shalt  }
0x3f: {  	_ =	shalt  }
0x40: {  	_ =	shalt  }
0x41: {  	_ =	shalt  }
0x42: {  	_ =	shalt  }
0x43: {  	_ =	shalt  }
0x44: {  	_ =	shalt  }
0x45: {  	_ =	shalt  }
0x46: {  	_ =	shalt  }
0x47: {  	_ =	shalt  }
0x48: {  	_ =	shalt  }
0x49: {  	_ =	shalt  }
0x4a: {  	_ =	shalt  }
0x4b: {  	_ =	shalt  }
0x4c: {  	_ =	shalt  }
0x4d: {  	_ =	shalt  }
0x4e: {  	_ =	shalt  }
0x4f: {  	_ =	shalt  }
0x50: {  	_ =	shalt  }
0x51: {  	_ =	shalt  }
0x52: {  	_ =	shalt  }
0x53: {  	_ =	shalt  }
0x54: {  	_ =	shalt  }
0x55: {  	_ =	shalt  }
0x56: {  	_ =	shalt  }
0x57: {  	_ =	shalt  }
0x58: {  	_ =	shalt  }
0x59: {  	_ =	shalt  }
0x5a: {  	_ =	shalt  }
0x5b: {  	_ =	shalt  }
0x5c: {  	_ =	shalt  }
0x5d: {  	_ =	shalt  }
0x5e: {  	_ =	shalt  }
0x5f: {  	_ =	shalt  }
0x60: {  	_ =	shalt  }
0x61: {  	_ =	shalt  }
0x62: {  	_ =	shalt  }
0x63: {  	_ =	shalt  }
0x64: {  	_ =	shalt  }
0x65: {  	_ =	shalt  }
0x66: {  	_ =	shalt  }
0x67: {  	_ =	shalt  }
0x68: {  	_ =	shalt  }
0x69: {  	_ =	shalt  }
0x6a: {  	_ =	shalt  }
0x6b: {  	_ =	shalt  }
0x6c: {  	_ =	shalt  }
0x6d: {  	_ =	shalt  }
0x6e: {  	_ =	shalt  }
0x6f: {  	_ =	shalt  }
0x70: {  	_ =	shalt  }
0x71: {  	_ =	shalt  }
0x72: {  	_ =	shalt  }
0x73: {  	_ =	shalt  }
0x74: {  	_ =	shalt  }
0x75: {  	_ =	shalt  }
0x76: {  	_ =	shalt  }
0x77: {  	_ =	shalt  }
0x78: {  	_ =	shalt  }
0x79: {  	_ =	shalt  }
0x7a: {  	_ =	shalt  }
0x7b: {  	_ =	shalt  }
0x7c: {  	_ =	shalt  }
0x7d: {  	_ =	shalt  }
0x7e: {  	_ =	shalt  }
0x7f: {  	_ =	shalt  }
0x80: {  	_ =	shalt  }
0x81: {  	_ =	shalt  }
0x82: {  	_ =	shalt  }
0x83: {  	_ =	shalt  }
0x84: {  	_ =	shalt  }
0x85: {  	_ =	shalt  }
0x86: {  	_ =	shalt  }
0x87: {  	_ =	shalt  }
.Lfunc_end0:
.L_simem_size_0:
called_computation_lowered:
.L_overlay_start_0:
0x88: {  	s2 =	sld [smem:$0x3FD9]  }
0x89: {  	s3 =	sld [smem:$0x3FFE];
	_ =	sdelay $0x1  }
0x8a: {  	s1 =	srdreg.scid  }
0x8b: {  	s0 =	sand.u32 $0x1, s1  }
0x8c: {  	s17 =	sshll.u32 s0, $0xA;
	s2 =	sadd.s32 s3, s2  }
0x8d: {  	s2 =	sadd.s32 s2, s17  }
0x8e: {  	[smem:$0x3FBD] =	sst s2  }
0x8f: {  	_ = 	snop  }
0x90: {  	s2 =	sld [smem:$0x3FC9]  }
0x91: {  	s18 =	sld [smem:$0x3FC7];
	(tm) =	ssettm $0x1  }
0x92: {  	s4 =	sld [smem:$0x3FFB];
	_ =	sdelay $0x3  }
0x93: {  	_ =	strace s4  }
0x94: {  	s4 =	sld [smem:$0x3FFC];
	_ =	sdelay $0x3  }
0x95: {  	_ =	strace s4  }
0x96: {  	s4 =	sld [smem:$0x3FFD];
	_ =	sdelay $0x3  }
0x97: {  	_ =	strace s4  }
0x98: {  	_ =	strace $0x8FFFFFFF  }
0x99: {  	s19 =	sld [smem:$0x3FDB];
	_ =	sdelay $0x1  }
0x9a: {  	s5 =	simm.s32 $_scs_section_size  }
0x9b: {  	s6 =	simm.s32 $_size__tile_overlayer_lowered;
	s7 =	simm.s32 $_tile_overlayer_lowered  }
0x9c: {  	s22 =	simm.s32 $0x1BFF;
	s21 =	sshll.u32 s7, $0x1;
	s4 =	sadd.s32 s5, s19  }
0x9d: {  	s8 =	simm.s32 $0x0;
	s20 =	sshll.u32 s6, $0x1;
	s6 =	sadd.s32 s21, s4  }
0x9e: {  	[timem:s8], [sflag:s22] =	dma.local [hbm:s6], s20  }
0x9f: {  	_ =	swait.ge [sflag:s22], s20  }
0xa0: {  	s5 =	ssub.s32 $0x0, s20;
	[sflag:s22] =	ssyncset.done $0x0  }
0xa1: {  	[sflag:s22] =	ssyncadd.s32 s5;
	_ =	sdelay $0x1  }
0xa2: {  	s23 =	simm.s32 $0x1B8B  }
0xa3: {  	_ =	swait.ge [sflag:s23], $0x1  }
0xa4: {  	[sflag:s23] =	ssyncset.done $0x0  }
0xa5: {  	s25 =	simm.s32 $0x1B8E;
	s24 =	sld [smem:$0x3FFE];
	[sflag:s23] =	ssyncadd.s32 $0xFFFFFFFF  }
0xa6: {  	s26 =	simm.s32 $execute0_lowered;
	[smem:$0x3FD2] =	sst s25  }
0xa7: {  	s6 =	sshll.u32 s26, $0x1;
	_ =	strace $0x80000046;
	[dreg:$0x1] =	wrdreg $0xFFFFFFFF  }
0xa8: {  	s28 =	simm.s32 $_size_execute0_lowered;
	s4 =	sadd.s32 s4, s6;
	[dreg:$0x0] =	wrdreg $0x0  }
0xa9: {  	s6 =	sshll.u32 s28, $0x1;
	[dreg:$0x2] =	wrdreg s4  }
0xaa: {  	[dreg:$0x3] =	wrdreg s6  }
0xab: {  	[dreg:$0x4] =	wrdreg $0xC0  }
0xac: {  	_ =	task [dreg:s8], $0x5FFFF  }
0xad: {  	[dreg:$0x1] =	wrdreg $0xFFFFFFFF  }
0xae: {  	[dreg:$0x0] =	wrdreg $0x60  }
0xaf: {  	[dreg:$0x2] =	wrdreg s18  }
0xb0: {  	[dreg:$0x3] =	wrdreg s2  }
0xb1: {  	[dreg:$0x4] =	wrdreg s24  }
0xb2: {  	[dreg:$0x5] =	wrdreg $0x9  }
0xb3: {  	_ =	task.clear_ibuf [dreg:s8], $0x6FFFF;
	_ =	strace $0x90000046  }
0xb4: {  	s29 =	simm.s32 $0x9;
	_ =	strace $0x80000048  }
0xb5: {  	_ =	swait.ge [sflag:s29], $0x1  }
0xb6: {  	[sflag:s29] =	ssyncadd.s32 $0xFFFFFFFF  }
0xb7: {  	_ =	strace $0x90000048  }
0xb8: {  	_ =	sfence  }
0xb9: {  	s30 =	sld [smem:$0x0];
	_ =	sdelay $0x2  }
0xba: {  	s31 =	sshll.u32 s1, $0xD;
	s1 =	sshrl.u32 s1, $0x2  }
0xbb: {  	s3 =	sand.u32 $0x4000, s31;
	s1 =	sadd.s32 s1, s30  }
0xbc: {  	s0 =	sor.u32 s3, s0;
	s1 =	sshll.u32 s1, $0x11  }
0xbd: {  	s0 =	sor.u32 s1, s0  }
0xbe: {  	s0 =	sadd.s32 $0x8F2B, s0  }
0xbf: {  	[sflag:s0] =	ssyncadd.remote.s32 $0x1  }
0xc0: {  	_ =	sfence.sel $0xFFFF  }
0xc1: {  	[dreg:$0x0] =	wrdreg $0xFFFFFFFF;
	(pc) =	sbr.abs _section_cstart, $3  }
0xc2: {  	[dreg:$0x1] =	wrdreg $0xFFFFFFFF  }
0xc3: {  	_ =	task.clear_ibuf [dreg:s8], $0x2FFFF;
	_ =	strace $0x9FFFFFFF  }
0xc4: {  	(tm) =	ssettm $0x7FFFFFFF  }
0xc5: {  	_ =	shalt  }
tec
execute0_lowered:
.L_overlay_start_1:
0x0: {  	(tag) =	ssettag $0x1  }
0x1: {  	s0 =	srdreg.scid;
	s1 =	rddreg [dreg:$0x0]  }
0x2: {  	s2 =	stileid.u32;
	s5 =	rddreg [dreg:$0x1]  }
0x3: {  	s21 =	rddreg [dreg:$0x2];
	s6 =	simm.s32 $0x0;
	s19 =	simm.s32 $0x80  }
0x4: {  	s20 =	simm.s32 $0x400;
	s28 =	simm.s32 $0x2;
	s29 =	simm.s32 $0x3  }
0x5: {  	s30 =	simm.s32 $0x1A700;
	s31 =	simm.s32 $0x5;
	s0 =	sand.u32 $0x1, s0  }
0x6: {  	s3 =	sshll.u32 s2, $0x1;
	s2 =	sshrl.u32 s2, $0x2;
	[smem:$0x7FF] =	sst s6  }
0x7: {  	s9 =	sadd.s32 $0x1400, s21;
	s26 =	sadd.s32 $0x1000, s5;
	s13 =	sadd.s32 $0x2000, s5  }
0x8: {  	s14 =	sadd.s32 $0x2400, s21;
	s15 =	sadd.s32 $0x3000, s5;
	s16 =	sadd.s32 $0x3400, s21  }
0x9: {  	s17 =	sadd.s32 $0x4400, s21;
	[dreg:$0x4] =	wrdreg s3;
	s8 =	sor.u32 s0, s3  }
0xa: {  	s2 =	smul.u32 $0xC3800, s2;
	s0 =	ssub.s32 $0x2, s0;
	s3 =	simm.s32 $0x1B700  }
0xb: {  	s4 =	sshll.u32 s8, $0x7;
	_ =	strace $0x80000047;
	s22 =	sshrl.u32 s0, $0x1  }
0xc: {  	[dreg:$0x5] =	wrdreg s9;
	s12 =	smov.u32 s8;
	s23 =	sand.u32 $0x7, s8  }
0xd: {  	[dreg:$0x9] =	wrdreg s26;
	s26 =	simm.s32 $0x19700;
	s9 =	simm.s32 $0x7  }
0xe: {  	s7 =	sand.u32 $0x380, s4;
	s0 =	ssub.s32 s0, s22;
	p0 =	sne.s32 s23, $0x0  }
0xf: {  	s22 =	simm.s32 $0x1;
	s4 =	simm.s32 $0x0;
	s24 =	sor.u32 $0x61800, s7  }
0x10: {  	v0 =	vlaneseq.u32;
	s2 =	sor.u32 s2, s7;
	s25 =	sor.u32 $0xC3400, s7;
	[dreg:$0x7] =	wrdreg s24  }
0x11: {  	v1 =	vor.u32 $0x10, v0;
	s0 =	smax.u32 s0, $0x1;
	s2 =	sshrl.u32 s2, $0x3;
	[dreg:$0x8] =	wrdreg s25  }
0x12: {  	v2 =	vor.u32 $0x20, v0;
	v3 =	vor.u32 $0x30, v0;
	v4 =	vor.u32 $0x40, v0;
	[dreg:$0xa] =	wrdreg s0;
	s24 =	simm.s32 $0x18680;
	s2 =	sadd.s32 s1, s2  }
0x13: {  	v5 =	vor.u32 $0x50, v0;
	v6 =	vor.u32 $0x60, v0;
	v7 =	vor.u32 $0x70, v0;
	s25 =	simm.s32 $0x4;
	s0 =	simm.s32 $0x6;
	[dreg:$0x6] =	wrdreg s2  }
.LBB2_1:
0x14: {  	[dreg:$0xb] =	wrdreg s4  }
0x15: {  	s2 =	rddreg [dreg:$0x6]  }
0x16: {  	[tilespmem:s6], [sflag:$0x1] =	stream.strided.gather [hbm4b:s2+s19], $0xC300, s20, s19, $0x38;
	[tilespmem:$0x1C700] =	vst v63  }
0x17: {  	s21 =	rddreg [dreg:$0x1];
	s23 =	simm.s32 $0x18700;
	s18 =	simm.s32 $0x0  }
0x18: {  	[tilespmem:s23], [sflag:$0x4] =	stream.strided.gather [hbm4b:s21+s19], $0x1000, s20, s19, $0x38;
	[tilespmem:$0x1C700] =	vst v63  }
.LBB2_2:
0x19: {  	s2 =	sshll.u32 s18, $0x5  }
0x1a: {  	s23 =	sor.u32 s12, s2  }
0x1b: {  	p1 =	seq.s32 s23, $0x0  }
0x1c: {  	p1 =	por !p0, !p1  }
0x1d: {  	s2 =	simm.s32 $0x1;
	p1 =	por !p1, !p1  }
0x1e: {  	s4 =	sshrl.u32 s23, $0x3;
	s2 =	simm.s32 @!p1 $0x0  }
0x1f: {  	s2 =	ssub.s32 s4, s2  }
0x20: {  	s2 =	smul.u32 $0xC3800, s2  }
0x21: {  	s11 =	rddreg [dreg:$0x7]  }
0x22: {  	s21 =	rddreg [dreg:$0x8];
	s4 =	sadd.s32 s11, s2  }
0x23: {  	s2 =	sadd.s32 s21, s2;
	s4 =	sshrl.u32 s4, $0x3  }
0x24: {  	s5 =	simm.s32 $0xC300;
	s2 =	sshrl.u32 s2, $0x3;
	s4 =	sadd.s32 s1, s4  }
0x25: {  	[tilespmem:s5], [sflag:$0x2] =	stream.strided.gather [hbm4b:s4+s19], $0xC380, s20, s19, $0x38;
	[tilespmem:$0x1C700] =	vst v63  }
0x26: {  	s2 =	sadd.s32 s1, s2  }
0x27: {  	[tilespmem:s24], [sflag:$0x3] =	stream.linear.gather [hbm4b:s2+s6], $0x80, $0x38;
	[tilespmem:$0x1C700] =	vst v63  }
0x28: {  	_ =	swait.ge [sflag:s22], $0xC300  }
0x29: {  	[sflag:s22] =	ssyncset.done $0x0  }
0x2a: {  	s8 =	sshll.u32 s18, $0x4;
	s5 =	sshll.u32 s18, $0xB;
	[sflag:s22] =	ssyncadd.s32 $0xFFFF3D00  }
0x2b: {  	s4 =	sand.u32 $0x70, s8;
	s2 =	sand.u32 $0xC000, s5;
	_ =	swait.ge [sflag:s25], $0x1000  }
0x2c: {  	s4 =	sor.u32 s4, s2;
	[sflag:s25] =	ssyncset.done $0x0;
	s10 =	rddreg [dreg:$0x9]  }
0x2d: {  	s11 =	simm.s32 $0x18740;
	[sflag:s25] =	ssyncadd.s32 $0xFFFFF000;
	s2 =	sadd.s32 s4, s10  }
0x2e: {  	[tilespmem:s26], [sflag:$0x5] =	stream.strided.gather [hbm4b:s2+s19], $0x1000, s20, s19, $0x38;
	[tilespmem:$0x1C700] =	vst v63  }
0x2f: {  	v8 =	vld [tilespmem:s11+$0x30]  }
0x30: {  	v11 =	vld [tilespmem:s11+$0xFFFFFFF0]  }
0x31: {  	v12 =	vld [tilespmem:s11+$0x0]  }
0x32: {  	v9 =	vld [tilespmem:s11+$0xFFFFFFD0]  }
0x33: {  	v10 =	vld [tilespmem:s11+$0xFFFFFFE0]  }
0x34: {  	v13 =	vld [tilespmem:s11+$0x10]  }
0x35: {  	v14 =	vld [tilespmem:s11+$0x20];
	vm4 =	vlt.s32 v11, $0x1867F  }
0x36: {  	s21 =	simm.s32 $0x187C0;
	v15 =	vld [tilespmem:s11+$0xFFFFFFC0];
	vm5 =	vlt.s32 v12, $0x1867F;
	v11 =	vnsel vm4, $0x1867F, v11  }
0x37: {  	v18 =	vld [tilespmem:s21+$0xFFFFFFE0];
	v12 =	vnsel vm5, $0x1867F, v12  }
0x38: {  	v19 =	vld [tilespmem:s21+$0xFFFFFFF0]  }
0x39: {  	v20 =	vld [tilespmem:s21+$0x0]  }
0x3a: {  	v21 =	vld [tilespmem:s21+$0x10];
	vm0 =	vlt.s32 v8, $0x1867F  }
0x3b: {  	vm1 =	vlt.s32 v9, $0x1867F;
	v8 =	vnsel vm0, $0x1867F, v8;
	v16 =	vld.idx.msk [tilespmem:v11+s6+$0x0], $0xffff  }
0x3c: {  	vm15 =	vlt.s32 v10, $0x1867F;
	v9 =	vnsel vm1, $0x1867F, v9;
	v17 =	vld.idx.msk [tilespmem:v12+s6+$0x0], $0xffff  }
0x3d: {  	v10 =	vnsel vm15, $0x1867F, v10;
	v11 =	vld [tilespmem:s21+$0x30]  }
0x3e: {  	vm6 =	vlt.s32 v15, $0x1867F;
	v12 =	vld [tilespmem:s21+$0xFFFFFFD0]  }
0x3f: {  	v22 =	vld [tilespmem:s21+$0x20];
	vm7 =	vlt.s32 v13, $0x1867F;
	v15 =	vnsel vm6, $0x1867F, v15  }
0x40: {  	vm8 =	vlt.s32 v14, $0x1867F;
	v13 =	vnsel vm7, $0x1867F, v13;
	v8 =	vld.idx.msk [tilespmem:v8+s6+$0x0], $0xffff  }
0x41: {  	vm11 =	vlt.s32 v18, $0x1867F;
	v14 =	vnsel vm8, $0x1867F, v14;
	v9 =	vld.idx.msk [tilespmem:v9+s6+$0x0], $0xffff  }
0x42: {  	v18 =	vnsel vm11, $0x1867F, v18;
	v10 =	vld.idx.msk [tilespmem:v10+s6+$0x0], $0xffff;
	vm9 =	vlt.s32 v11, $0x1867F  }
0x43: {  	v23 =	vld [tilespmem:s21+$0xFFFFFFC0];
	vm10 =	vlt.s32 v12, $0x1867F;
	v11 =	vnsel vm9, $0x1867F, v11  }
0x44: {  	s2 =	simm.s32 $0x1A740;
	vm12 =	vlt.s32 v19, $0x1867F;
	vm13 =	vlt.s32 v20, $0x1867F;
	v15 =	vld.idx.msk [tilespmem:v15+s6+$0x0], $0xffff;
	v12 =	vnsel vm10, $0x1867F, v12  }
0x45: {  	v20 =	vnsel vm13, $0x1867F, v20;
	[tilespmem:s2+$0x30] =	vst v8;
	v8 =	vnsel vm12, $0x1867F, v19;
	v19 =	vld.idx.msk [tilespmem:v13+s6+$0x0], $0xffff  }
0x46: {  	[tilespmem:s2+$0xFFFFFFD0] =	vst v9;
	v13 =	vld.idx.msk [tilespmem:v14+s6+$0x0], $0xffff  }
0x47: {  	[tilespmem:s2+$0xFFFFFFE0] =	vst v10;
	v14 =	vld.idx.msk [tilespmem:v18+s6+$0x0], $0xffff  }
0x48: {  	[tilespmem:s2+$0xFFFFFFF0] =	vst v16;
	v11 =	vld.idx.msk [tilespmem:v11+s6+$0x0], $0xffff  }
0x49: {  	[tilespmem:s2+$0x0] =	vst v17;
	v12 =	vld.idx.msk [tilespmem:v12+s6+$0x0], $0xffff  }
0x4a: {  	vm14 =	vlt.s32 v21, $0x1867F;
	vm2 =	vlt.s32 v23, $0x1867F;
	vm15 =	vlt.s32 v22, $0x1867F;
	[tilespmem:s2+$0xFFFFFFC0] =	vst v15;
	v16 =	vld.idx.msk [tilespmem:v20+s6+$0x0], $0xffff  }
0x4b: {  	s8 =	simm.s32 $0x18840;
	s5 =	simm.s32 $0x80;
	v9 =	vnsel vm15, $0x1867F, v22;
	v10 =	vnsel vm2, $0x1867F, v23;
	v15 =	vld.idx.msk [tilespmem:v8+s6+$0x0], $0xffff;
	v8 =	vnsel vm14, $0x1867F, v21;
	[tilespmem:s2+$0x10] =	vst v19  }
.LBB2_3:
0x4c: {  	v17 =	vld [tilespmem:s8+$0x30];
	s5 =	sadd.s32 $0x80, s5;
	[tilespmem:s2+$0x20] =	vst v13;
	s2 =	sadd.s32 $0x80, s2  }
0x4d: {  	v13 =	vld [tilespmem:s8+$0xFFFFFFD0];
	p1 =	slt.u32 s5, $0xF80;
	[tilespmem:s2+$0x30] =	vst v11  }
0x4e: {  	v11 =	vld [tilespmem:s8+$0xFFFFFFE0];
	[tilespmem:s2+$0xFFFFFFD0] =	vst v12  }
0x4f: {  	v12 =	vld [tilespmem:s8+$0xFFFFFFF0];
	[tilespmem:s2+$0xFFFFFFE0] =	vst v14  }
0x50: {  	v14 =	vld [tilespmem:s8+$0x0];
	[tilespmem:s2+$0xFFFFFFF0] =	vst v15  }
0x51: {  	v15 =	vld [tilespmem:s8+$0x10];
	vm0 =	vlt.s32 v17, $0x1867F;
	[tilespmem:s2+$0x0] =	vst v16  }
0x52: {  	vm1 =	vlt.s32 v13, $0x1867F;
	v16 =	vld [tilespmem:s8+$0x20];
	v17 =	vnsel vm0, $0x1867F, v17  }
0x53: {  	v18 =	vld [tilespmem:s8+$0xFFFFFFC0];
	v19 =	vnsel vm1, $0x1867F, v13;
	vm0 =	vlt.s32 v11, $0x1867F  }
0x54: {  	v20 =	vnsel vm0, $0x1867F, v11;
	vm0 =	vlt.s32 v12, $0x1867F;
	v21 =	vld.idx.msk [tilespmem:v10+s6+$0x0], $0xffff  }
0x55: {  	v22 =	vnsel vm0, $0x1867F, v12;
	vm0 =	vlt.s32 v14, $0x1867F;
	v23 =	vld.idx.msk [tilespmem:v8+s6+$0x0], $0xffff  }
0x56: {  	v24 =	vnsel vm0, $0x1867F, v14;
	vm0 =	vlt.s32 v15, $0x1867F;
	v13 =	vld.idx.msk [tilespmem:v9+s6+$0x0], $0xffff  }
.Ltmp0:
0x57: {  	v8 =	vnsel vm0, $0x1867F, v15;
	vm0 =	vlt.s32 v16, $0x1867F;
	v11 =	vld.idx.msk [tilespmem:v17+s6+$0x0], $0xffff;
	(pc) =	sbr.rel @p1 .LBB2_3-.Ltmp0, $4  }
0x58: {  	vm1 =	vlt.s32 v18, $0x1867F;
	v12 =	vld.idx.msk [tilespmem:v19+s6+$0x0], $0xffff;
	v9 =	vnsel vm0, $0x1867F, v16  }
0x59: {  	v10 =	vnsel vm1, $0x1867F, v18;
	v14 =	vld.idx.msk [tilespmem:v20+s6+$0x0], $0xffff  }
0x5a: {  	v15 =	vld.idx.msk [tilespmem:v22+s6+$0x0], $0xffff;
	[tilespmem:s2+$0xFFFFFFC0] =	vst v21  }
0x5b: {  	s8 =	sadd.s32 $0x80, s8;
	v16 =	vld.idx.msk [tilespmem:v24+s6+$0x0], $0xffff;
	[tilespmem:s2+$0x10] =	vst v23  }
0x5c: {  	_ =	sdelay $0x2  }
0x5d: {  	[tilespmem:s2+$0x20] =	vst v13;
	s21 =	sadd.s32 $0x80, s2  }
0x5e: {  	v10 =	vld.idx.msk [tilespmem:v10+s6+$0x0], $0xffff;
	[tilespmem:s21+$0x30] =	vst v11  }
0x5f: {  	v8 =	vld.idx.msk [tilespmem:v8+s6+$0x0], $0xffff;
	[tilespmem:s21+$0xFFFFFFD0] =	vst v12  }
0x60: {  	v9 =	vld.idx.msk [tilespmem:v9+s6+$0x0], $0xffff;
	[tilespmem:s21+$0xFFFFFFE0] =	vst v14  }
0x61: {  	[tilespmem:s21+$0xFFFFFFF0] =	vst v15  }
0x62: {  	[tilespmem:s21+$0x0] =	vst v16  }
0x63: {  	[tilespmem:s21+$0xFFFFFFC0] =	vst v10  }
0x64: {  	[tilespmem:s21+$0x10] =	vst v8  }
0x65: {  	[tilespmem:s21+$0x20] =	vst v9  }
0x66: {  	_ =	swait.ge [sflag:s28], $0xC380  }
0x67: {  	[sflag:s28] =	ssyncset.done $0x0  }
0x68: {  	[sflag:s28] =	ssyncadd.s32 $0xFFFF3C80  }
0x69: {  	_ =	swait.ge [sflag:s29], $0x80  }
0x6a: {  	[sflag:s29] =	ssyncset.done $0x0  }
0x6b: {  	s5 =	simm.s32 $0x18740;
	[sflag:s29] =	ssyncadd.s32 $0xFFFFFF80  }
0x6c: {  	s2 =	simm.s32 $0x0;
	v15 =	vld [tilespmem:s5+$0xFFFFFFC0]  }
0x6d: {  	v8 =	vmov s2;
	v10 =	vld [tilespmem:s5+$0xFFFFFFF0]  }
0x6e: {  	v8 =	vshrl.u32 v8, $0x7;
	v9 =	vld [tilespmem:s5+$0x30]  }
0x6f: {  	v8 =	vshll.u32 v8, $0x7;
	v16 =	vld [tilespmem:s5+$0x10]  }
0x70: {  	v8 =	vbroadcast v8, $0x0;
	v12 =	vld [tilespmem:s5+$0x0];
	_ =	sdelay $0x1  }
0x71: {  	v13 =	vor.u32 v0, v8;
	vm0 =	vgt.s32 v15, $0xC300  }
0x72: {  	v11 =	vadd.s32 $0xFFFE7980, v15;
	vm1 =	vgt.s32 v9, $0xC300;
	v20 =	vadd.s32 $0xFFFE7980, v9  }
0x73: {  	vm2 =	vgt.s32 v10, $0xC300;
	v22 =	vadd.s32 $0xFFFE7980, v10;
	v23 =	vadd.s32 $0xFFFE7980, v16  }
0x74: {  	vm4 =	vgt.s32 v12, $0xC300;
	v24 =	vadd.s32 $0xFFFE7980, v12;
	v14 =	vnsel vm0, $0xC300, v15  }
0x75: {  	vm0 =	vgt.s32 v11, $0x0;
	v21 =	vnsel vm1, $0xC300, v9;
	vm1 =	vgt.s32 v16, $0xC300  }
0x76: {  	vm3 =	vgt.s32 v22, $0x0;
	v25 =	vnsel vm4, $0xC300, v12;
	v19 =	vnsel vm0, $0x0, v11;
	v11 =	vld [tilespmem:s5+$0xFFFFFFD0]  }
0x77: {  	vm14 =	vgt.s32 v24, $0x0;
	v18 =	vmin.u32 v14, $0x1867F;
	v14 =	vld [tilespmem:s5+$0xFFFFFFE0];
	v17 =	vnsel vm1, $0xC300, v16  }
0x78: {  	vm15 =	vgt.s32 v20, $0x0;
	v24 =	vnsel vm14, $0x0, v24;
	v29 =	vmin.u32 v17, $0x1867F;
	v17 =	vld [tilespmem:s5+$0x20]  }
0x79: {  	v33 =	vnsel vm2, $0xC300, v10;
	vm0 =	vgt.s32 v15, $0xC2FF;
	v34 =	vmin.u32 v25, $0x1867F  }
0x7a: {  	vm1 =	vgt.s32 v23, $0x0;
	v27 =	vnsel vm3, $0x0, v22;
	v20 =	vnsel vm15, $0x0, v20  }
0x7b: {  	v32 =	vmin.u32 v21, $0x1867F;
	v31 =	vnsel vm1, $0x0, v23;
	vm1 =	vgt.s32 v16, $0xC2FF;
	v25 =	vld.idx.msk [tilespmem:v19+s24+$0x0], $0xffff  }
0x7c: {  	vm5 =	vgt.s32 v11, $0xC300;
	vm3 =	vgt.s32 v14, $0xC300;
	v30 =	vadd.s32 $0xFFFE7980, v14;
	v26 =	vld.idx.msk [tilespmem:v18+s6+$0x0], $0xffff  }
0x7d: {  	v28 =	vadd.s32 $0xFFFE7980, v11;
	v18 =	vld.idx.msk [tilespmem:v24+s24+$0x0], $0xffff;
	v19 =	vnsel vm3, $0xC300, v14;
	vm3 =	vgt.s32 v17, $0xC300  }
0x7e: {  	v21 =	vld.idx.msk [tilespmem:v34+s6+$0x0], $0xffff;
	v24 =	vor.u32 v5, v8;
	v22 =	vnsel vm5, $0xC300, v11;
	v35 =	vnsel vm3, $0xC300, v17  }
0x7f: {  	s5 =	simm.s32 $0x187C0;
	vm2 =	vgt.s32 v30, $0x0;
	v23 =	vld.idx.msk [tilespmem:v29+s6+$0x0], $0xffff;
	v29 =	vmin.u32 v19, $0x1867F;
	v19 =	vmin.u32 v35, $0x1867F  }
.LBB2_5:
0x80: {  	s2 =	sadd.s32 $0x80, s2;
	v30 =	vnsel vm2, $0x0, v30;
	v33 =	vmin.u32 v33, $0x1867F;
	v27 =	vld.idx.msk [tilespmem:v27+s24+$0x0], $0xffff;
	v34 =	vadd.s32 $0xFFFE7980, v17  }
0x81: {  	vm2 =	vgt.s32 v15, $0x1867F;
	vm3 =	vgt.s32 v28, $0x0;
	v35 =	vmov s2;
	p1 =	slt.u32 s2, $0xF80;
	v31 =	vld.idx.msk [tilespmem:v31+s24+$0x0], $0xffff  }
0x82: {  	vm4 =	vgt.s32 v16, $0x1867F;
	vm5 =	vgt.s32 v34, $0x0;
	v15 =	vshrl.u32 v35, $0x7;
	v35 =	vld [tilespmem:s5+$0xFFFFFFF0]  }
0x83: {  	v16 =	vsel vm2, v25, v26;
	v25 =	vnsel vm5, $0x0, v34;
	v15 =	vshll.u32 v15, $0x7;
	v26 =	vld.idx.msk [tilespmem:v32+s6+$0x0], $0xffff  }
0x84: {  	v28 =	vnsel vm3, $0x0, v28;
	vm2 =	vgt.s32 v9, $0xC2FF;
	v32 =	vbroadcast v15, $0x0;
	v34 =	vld [tilespmem:s5+$0x30];
	[tilespmem:v13+s30+$0x0] =	vst.idx.msk vm0, v16  }
0x85: {  	v36 =	vor.u32 v2, v8;
	vm3 =	vgt.s32 v17, $0x1867F;
	vm5 =	vgt.s32 v10, $0xC2FF;
	v15 =	vld [tilespmem:s5+$0xFFFFFFC0]  }
0x86: {  	v38 =	vor.u32 v1, v8;
	vm6 =	vgt.s32 v14, $0x1867F;
	v13 =	vor.u32 v0, v32;
	v37 =	vld [tilespmem:s5+$0x0]  }
0x87: {  	v16 =	vsel vm4, v31, v23;
	vm4 =	vgt.s32 v17, $0xC2FF;
	v23 =	vor.u32 v6, v8;
	v29 =	vld.idx.msk [tilespmem:v29+s6+$0x0], $0xffff  }
0x88: {  	vm8 =	vgt.s32 v10, $0x1867F;
	[tilespmem:v24+s30+$0x0] =	vst.idx.msk vm1, v16;
	v24 =	vld.idx.msk [tilespmem:v25+s24+$0x0], $0xffff;
	vm1 =	vgt.s32 v9, $0x1867F;
	v25 =	vor.u32 v7, v8  }
0x89: {  	vm11 =	vgt.s32 v12, $0xC2FF;
	v17 =	vmin.u32 v22, $0x1867F;
	v22 =	vor.u32 v4, v8;
	v10 =	vmovc v35;
	v20 =	vld.idx.msk [tilespmem:v20+s24+$0x0], $0xffff;
	v9 =	vmovc v34  }
0x8a: {  	vm7 =	vgt.s32 v12, $0x1867F;
	vm0 =	vgt.s32 v15, $0xC300;
	v31 =	vadd.s32 $0xFFFE7980, v15;
	v16 =	vld [tilespmem:s5+$0x10]  }
0x8b: {  	v18 =	vsel vm7, v18, v21;
	v34 =	vnsel vm0, $0xC300, v15;
	vm0 =	vgt.s32 v31, $0x0;
	v33 =	vld.idx.msk [tilespmem:v33+s6+$0x0], $0xffff;
	v12 =	vmovc v37  }
0x8c: {  	v21 =	vmin.u32 v34, $0x1867F;
	v31 =	vnsel vm0, $0x0, v31;
	vm0 =	vgt.s32 v15, $0xC2FF;
	v30 =	vld.idx.msk [tilespmem:v30+s24+$0x0], $0xffff  }
0x8d: {  	vm9 =	vgt.s32 v14, $0xC2FF;
	vm10 =	vgt.s32 v9, $0xC300;
	v35 =	vadd.s32 $0xFFFE7980, v9;
	v34 =	vld [tilespmem:s5+$0xFFFFFFD0]  }
0x8e: {  	v39 =	vor.u32 v3, v8;
	vm7 =	vgt.s32 v10, $0xC300;
	v8 =	vmovc v32;
	v37 =	vnsel vm10, $0xC300, v9;
	v19 =	vld.idx.msk [tilespmem:v19+s6+$0x0], $0xffff  }
0x8f: {  	vm12 =	vgt.s32 v11, $0x1867F;
	v32 =	vadd.s32 $0xFFFE7980, v10;
	vm10 =	vgt.s32 v11, $0xC2FF;
	v28 =	vld.idx.msk [tilespmem:v28+s24+$0x0], $0xffff;
	[tilespmem:v22+s30+$0x0] =	vst.idx.msk vm11, v18  }
0x90: {  	vm13 =	vgt.s32 v32, $0x0;
	vm11 =	vgt.s32 v16, $0xC300;
	v18 =	vadd.s32 $0xFFFE7980, v16;
	v22 =	vld.idx.msk [tilespmem:v17+s6+$0x0], $0xffff  }
0x91: {  	v17 =	vnsel vm11, $0xC300, v16;
	vm11 =	vgt.s32 v18, $0x0;
	v27 =	vsel vm8, v27, v33;
	v14 =	vld [tilespmem:s5+$0xFFFFFFE0]  }
0x92: {  	vm8 =	vgt.s32 v12, $0xC300;
	v33 =	vadd.s32 $0xFFFE7980, v12;
	v29 =	vsel vm6, v30, v29;
	v11 =	vmovc v34  }
0x93: {  	v20 =	vsel vm1, v20, v26;
	v30 =	vnsel vm8, $0xC300, v12;
	vm6 =	vgt.s32 v33, $0x0;
	[tilespmem:v39+s30+$0x0] =	vst.idx.msk vm5, v27  }
0x94: {  	v34 =	vmin.u32 v30, $0x1867F;
	v39 =	vmin.u32 v17, $0x1867F;
	v19 =	vsel vm3, v24, v19;
	v17 =	vld [tilespmem:s5+$0x20];
	[tilespmem:v25+s30+$0x0] =	vst.idx.msk vm2, v20  }
0x95: {  	vm1 =	vgt.s32 v11, $0xC300;
	v27 =	vnsel vm13, $0x0, v32;
	v24 =	vnsel vm6, $0x0, v33;
	[tilespmem:v23+s30+$0x0] =	vst.idx.msk vm4, v19  }
0x96: {  	vm3 =	vgt.s32 v35, $0x0;
	v19 =	vsel vm12, v28, v22;
	vm2 =	vgt.s32 v14, $0xC300;
	[tilespmem:v36+s30+$0x0] =	vst.idx.msk vm9, v29  }
.Ltmp1:
0x97: {  	v20 =	vnsel vm3, $0x0, v35;
	v30 =	vadd.s32 $0xFFFE7980, v14;
	v25 =	vld.idx.msk [tilespmem:v31+s24+$0x0], $0xffff;
	v29 =	vnsel vm2, $0xC300, v14;
	[tilespmem:v38+s30+$0x0] =	vst.idx.msk vm10, v19;
	(pc) =	sbr.rel @p1 .LBB2_5-.Ltmp1, $4  }
0x98: {  	v33 =	vnsel vm7, $0xC300, v10;
	v22 =	vnsel vm1, $0xC300, v11;
	v31 =	vnsel vm11, $0x0, v18;
	v26 =	vld.idx.msk [tilespmem:v21+s6+$0x0], $0xffff  }
0x99: {  	v28 =	vadd.s32 $0xFFFE7980, v11;
	vm2 =	vgt.s32 v30, $0x0;
	v23 =	vld.idx.msk [tilespmem:v39+s6+$0x0], $0xffff;
	vm3 =	vgt.s32 v17, $0xC300  }
0x9a: {  	v32 =	vmin.u32 v37, $0x1867F;
	vm1 =	vgt.s32 v16, $0xC2FF;
	v18 =	vld.idx.msk [tilespmem:v24+s24+$0x0], $0xffff;
	v19 =	vnsel vm3, $0xC300, v17  }
0x9b: {  	s5 =	sadd.s32 $0x80, s5;
	v29 =	vmin.u32 v29, $0x1867F;
	v24 =	vor.u32 v5, v8;
	v21 =	vld.idx.msk [tilespmem:v34+s6+$0x0], $0xffff;
	v19 =	vmin.u32 v19, $0x1867F  }
0x9c: {  	_ =	sdelay $0x3  }
0x9d: {  	v27 =	vld.idx.msk [tilespmem:v27+s24+$0x0], $0xffff  }
0x9e: {  	v34 =	vadd.s32 $0xFFFE7980, v17;
	v33 =	vmin.u32 v33, $0x1867F;
	v31 =	vld.idx.msk [tilespmem:v31+s24+$0x0], $0xffff  }
0x9f: {  	v30 =	vnsel vm2, $0x0, v30;
	v32 =	vld.idx.msk [tilespmem:v32+s6+$0x0], $0xffff;
	vm3 =	vgt.s32 v34, $0x0  }
0xa0: {  	vm8 =	vgt.s32 v28, $0x0;
	v29 =	vld.idx.msk [tilespmem:v29+s6+$0x0], $0xffff;
	v34 =	vnsel vm3, $0x0, v34  }
0xa1: {  	vm9 =	vgt.s32 v15, $0x1867F;
	vm10 =	vgt.s32 v16, $0x1867F;
	v20 =	vld.idx.msk [tilespmem:v20+s24+$0x0], $0xffff;
	v15 =	vnsel vm8, $0x0, v28  }
0xa2: {  	v16 =	vmin.u32 v22, $0x1867F;
	vm4 =	vgt.s32 v12, $0xC2FF;
	vm11 =	vgt.s32 v10, $0xC2FF;
	v19 =	vld.idx.msk [tilespmem:v19+s6+$0x0], $0xffff  }
0xa3: {  	v54 =	vor.u32 v4, v8;
	vm5 =	vgt.s32 v9, $0xC2FF;
	v56 =	vor.u32 v2, v8;
	v55 =	vld.idx.msk [tilespmem:v33+s6+$0x0], $0xffff  }
0xa4: {  	v57 =	vor.u32 v3, v8;
	vm12 =	vgt.s32 v17, $0xC2FF;
	v58 =	vor.u32 v7, v8;
	v30 =	vld.idx.msk [tilespmem:v30+s24+$0x0], $0xffff  }
0xa5: {  	vm13 =	vgt.s32 v12, $0x1867F;
	vm6 =	vgt.s32 v14, $0xC2FF;
	v53 =	vsel vm9, v25, v26;
	v52 =	vld.idx.msk [tilespmem:v34+s24+$0x0], $0xffff  }
0xa6: {  	[tilespmem:v13+s30+$0x0] =	vst.idx.msk vm0, v53;
	v13 =	vor.u32 v6, v8;
	v23 =	vsel vm10, v31, v23;
	v12 =	vld.idx.msk [tilespmem:v15+s24+$0x0], $0xffff  }
0xa7: {  	vm14 =	vgt.s32 v10, $0x1867F;
	vm15 =	vgt.s32 v11, $0xC2FF;
	v10 =	vsel vm13, v18, v21;
	[tilespmem:v24+s30+$0x0] =	vst.idx.msk vm1, v23;
	v15 =	vld.idx.msk [tilespmem:v16+s6+$0x0], $0xffff  }
0xa8: {  	vm7 =	vgt.s32 v9, $0x1867F;
	v8 =	vor.u32 v1, v8;
	[tilespmem:v54+s30+$0x0] =	vst.idx.msk vm4, v10;
	v9 =	vsel vm14, v27, v55  }
0xa9: {  	vm9 =	vgt.s32 v17, $0x1867F;
	[tilespmem:v57+s30+$0x0] =	vst.idx.msk vm11, v9;
	v9 =	vsel vm7, v20, v32  }
0xaa: {  	vm10 =	vgt.s32 v14, $0x1867F;
	v10 =	vsel vm9, v52, v19;
	[tilespmem:v58+s30+$0x0] =	vst.idx.msk vm5, v9  }
0xab: {  	s2 =	sshll.u32 s23, $0xE;
	vm11 =	vgt.s32 v11, $0x1867F;
	v9 =	vsel vm10, v30, v29;
	[tilespmem:v13+s30+$0x0] =	vst.idx.msk vm12, v10  }
0xac: {  	s2 =	sand.u32 $0xFE0000, s2;
	v10 =	vsel vm11, v12, v15;
	[tilespmem:v56+s30+$0x0] =	vst.idx.msk vm6, v9  }
0xad: {  	s2 =	sor.u32 s7, s2;
	[tilespmem:v8+s30+$0x0] =	vst.idx.msk vm15, v10  }
0xae: {  	s23 =	sshrl.u32 s2, $0x3;
	s11 =	rddreg [dreg:$0x5]  }
0xaf: {  	s2 =	sadd.s32 s11, s23  }
0xb0: {  	[hbm4b:s2+s19] =	stream.strided.scatter [tilespmem:s30], [sflag:$0x6], $0x1000, s20, s19, $0x38;
	[tilespmem:$0x1C700] =	vst v63  }
0xb1: {  	_ =	swait.ge [sflag:s31], $0x1000  }
0xb2: {  	[sflag:s31] =	ssyncset.done $0x0  }
0xb3: {  	s21 =	sadd.s32 s4, s13;
	s5 =	simm.s32 $0x18700;
	[sflag:s31] =	ssyncadd.s32 $0xFFFFF000  }
0xb4: {  	[tilespmem:s5], [sflag:$0x4] =	stream.strided.gather [hbm4b:s21+s19], $0x1000, s20, s19, $0x38;
	[tilespmem:$0x1C700] =	vst v63  }
0xb5: {  	s5 =	simm.s32 $0x19740  }
0xb6: {  	v8 =	vld [tilespmem:s5+$0x30]  }
0xb7: {  	v11 =	vld [tilespmem:s5+$0xFFFFFFF0]  }
0xb8: {  	v12 =	vld [tilespmem:s5+$0x0]  }
0xb9: {  	v9 =	vld [tilespmem:s5+$0xFFFFFFD0]  }
0xba: {  	v10 =	vld [tilespmem:s5+$0xFFFFFFE0]  }
0xbb: {  	v13 =	vld [tilespmem:s5+$0x10]  }
0xbc: {  	v14 =	vld [tilespmem:s5+$0x20];
	vm15 =	vlt.s32 v11, $0x1867F  }
0xbd: {  	s21 =	simm.s32 $0x197C0;
	v15 =	vld [tilespmem:s5+$0xFFFFFFC0];
	vm4 =	vlt.s32 v12, $0x1867F;
	v11 =	vnsel vm15, $0x1867F, v11  }
0xbe: {  	v18 =	vld [tilespmem:s21+$0xFFFFFFE0];
	v12 =	vnsel vm4, $0x1867F, v12  }
0xbf: {  	v19 =	vld [tilespmem:s21+$0xFFFFFFF0]  }
0xc0: {  	v59 =	vld [tilespmem:s21+$0x0]  }
0xc1: {  	v60 =	vld [tilespmem:s21+$0x10];
	vm12 =	vlt.s32 v8, $0x1867F  }
0xc2: {  	vm13 =	vlt.s32 v9, $0x1867F;
	v8 =	vnsel vm12, $0x1867F, v8;
	v16 =	vld.idx.msk [tilespmem:v11+s6+$0x0], $0xffff  }
0xc3: {  	vm14 =	vlt.s32 v10, $0x1867F;
	v9 =	vnsel vm13, $0x1867F, v9;
	v17 =	vld.idx.msk [tilespmem:v12+s6+$0x0], $0xffff  }
0xc4: {  	v10 =	vnsel vm14, $0x1867F, v10;
	v11 =	vld [tilespmem:s21+$0x30]  }
0xc5: {  	vm5 =	vlt.s32 v15, $0x1867F;
	v12 =	vld [tilespmem:s21+$0xFFFFFFD0]  }
0xc6: {  	v61 =	vld [tilespmem:s21+$0x20];
	vm6 =	vlt.s32 v13, $0x1867F;
	v15 =	vnsel vm5, $0x1867F, v15  }
0xc7: {  	vm7 =	vlt.s32 v14, $0x1867F;
	v13 =	vnsel vm6, $0x1867F, v13;
	v8 =	vld.idx.msk [tilespmem:v8+s6+$0x0], $0xffff  }
0xc8: {  	vm10 =	vlt.s32 v18, $0x1867F;
	v14 =	vnsel vm7, $0x1867F, v14;
	v9 =	vld.idx.msk [tilespmem:v9+s6+$0x0], $0xffff  }
0xc9: {  	v18 =	vnsel vm10, $0x1867F, v18;
	v10 =	vld.idx.msk [tilespmem:v10+s6+$0x0], $0xffff;
	vm8 =	vlt.s32 v11, $0x1867F  }
0xca: {  	v62 =	vld [tilespmem:s21+$0xFFFFFFC0];
	vm9 =	vlt.s32 v12, $0x1867F;
	v11 =	vnsel vm8, $0x1867F, v11  }
0xcb: {  	s8 =	simm.s32 $0x1B740;
	vm11 =	vlt.s32 v19, $0x1867F;
	vm12 =	vlt.s32 v59, $0x1867F;
	v63 =	vld.idx.msk [tilespmem:v15+s6+$0x0], $0xffff;
	v12 =	vnsel vm9, $0x1867F, v12  }
0xcc: {  	v20 =	vnsel vm12, $0x1867F, v59;
	[tilespmem:s8+$0x30] =	vst v8;
	v8 =	vnsel vm11, $0x1867F, v19;
	v19 =	vld.idx.msk [tilespmem:v13+s6+$0x0], $0xffff  }
0xcd: {  	[tilespmem:s8+$0xFFFFFFD0] =	vst v9;
	v13 =	vld.idx.msk [tilespmem:v14+s6+$0x0], $0xffff  }
0xce: {  	[tilespmem:s8+$0xFFFFFFE0] =	vst v10;
	v14 =	vld.idx.msk [tilespmem:v18+s6+$0x0], $0xffff  }
0xcf: {  	[tilespmem:s8+$0xFFFFFFF0] =	vst v16;
	v11 =	vld.idx.msk [tilespmem:v11+s6+$0x0], $0xffff  }
0xd0: {  	[tilespmem:s8+$0x0] =	vst v17;
	v12 =	vld.idx.msk [tilespmem:v12+s6+$0x0], $0xffff  }
0xd1: {  	vm13 =	vlt.s32 v60, $0x1867F;
	vm14 =	vlt.s32 v61, $0x1867F;
	vm15 =	vlt.s32 v62, $0x1867F;
	[tilespmem:s8+$0xFFFFFFC0] =	vst v63;
	v16 =	vld.idx.msk [tilespmem:v20+s6+$0x0], $0xffff  }
0xd2: {  	s10 =	simm.s32 $0x80;
	s11 =	simm.s32 $0x19840;
	s2 =	simm.s32 $0x0;
	v9 =	vnsel vm14, $0x1867F, v61;
	v10 =	vnsel vm15, $0x1867F, v62;
	v15 =	vld.idx.msk [tilespmem:v8+s6+$0x0], $0xffff;
	v8 =	vnsel vm13, $0x1867F, v60;
	[tilespmem:s8+$0x10] =	vst v19  }
.LBB2_7:
0xd3: {  	v17 =	vld [tilespmem:s11+$0x30];
	s10 =	sadd.s32 $0x80, s10;
	[tilespmem:s8+$0x20] =	vst v13;
	s8 =	sadd.s32 $0x80, s8  }
0xd4: {  	v13 =	vld [tilespmem:s11+$0xFFFFFFD0];
	p1 =	slt.u32 s10, $0xF80;
	[tilespmem:s8+$0x30] =	vst v11  }
0xd5: {  	v11 =	vld [tilespmem:s11+$0xFFFFFFE0];
	[tilespmem:s8+$0xFFFFFFD0] =	vst v12  }
0xd6: {  	v12 =	vld [tilespmem:s11+$0xFFFFFFF0];
	[tilespmem:s8+$0xFFFFFFE0] =	vst v14  }
0xd7: {  	v14 =	vld [tilespmem:s11+$0x0];
	[tilespmem:s8+$0xFFFFFFF0] =	vst v15  }
0xd8: {  	v15 =	vld [tilespmem:s11+$0x10];
	vm0 =	vlt.s32 v17, $0x1867F;
	[tilespmem:s8+$0x0] =	vst v16  }
0xd9: {  	vm1 =	vlt.s32 v13, $0x1867F;
	v16 =	vld [tilespmem:s11+$0x20];
	v17 =	vnsel vm0, $0x1867F, v17  }
0xda: {  	v18 =	vld [tilespmem:s11+$0xFFFFFFC0];
	v19 =	vnsel vm1, $0x1867F, v13;
	vm0 =	vlt.s32 v11, $0x1867F  }
0xdb: {  	v20 =	vnsel vm0, $0x1867F, v11;
	vm0 =	vlt.s32 v12, $0x1867F;
	v21 =	vld.idx.msk [tilespmem:v10+s6+$0x0], $0xffff  }
0xdc: {  	v22 =	vnsel vm0, $0x1867F, v12;
	vm0 =	vlt.s32 v14, $0x1867F;
	v23 =	vld.idx.msk [tilespmem:v8+s6+$0x0], $0xffff  }
0xdd: {  	v24 =	vnsel vm0, $0x1867F, v14;
	vm0 =	vlt.s32 v15, $0x1867F;
	v13 =	vld.idx.msk [tilespmem:v9+s6+$0x0], $0xffff  }
.Ltmp2:
0xde: {  	v8 =	vnsel vm0, $0x1867F, v15;
	vm0 =	vlt.s32 v16, $0x1867F;
	v11 =	vld.idx.msk [tilespmem:v17+s6+$0x0], $0xffff;
	(pc) =	sbr.rel @p1 .LBB2_7-.Ltmp2, $4  }
0xdf: {  	vm1 =	vlt.s32 v18, $0x1867F;
	v12 =	vld.idx.msk [tilespmem:v19+s6+$0x0], $0xffff;
	v9 =	vnsel vm0, $0x1867F, v16  }
0xe0: {  	v10 =	vnsel vm1, $0x1867F, v18;
	v14 =	vld.idx.msk [tilespmem:v20+s6+$0x0], $0xffff  }
0xe1: {  	v15 =	vld.idx.msk [tilespmem:v22+s6+$0x0], $0xffff;
	[tilespmem:s8+$0xFFFFFFC0] =	vst v21  }
0xe2: {  	s11 =	sadd.s32 $0x80, s11;
	v16 =	vld.idx.msk [tilespmem:v24+s6+$0x0], $0xffff;
	[tilespmem:s8+$0x10] =	vst v23  }
0xe3: {  	_ =	sdelay $0x2  }
0xe4: {  	[tilespmem:s8+$0x20] =	vst v13;
	s11 =	sadd.s32 $0x80, s8  }
0xe5: {  	v10 =	vld.idx.msk [tilespmem:v10+s6+$0x0], $0xffff;
	[tilespmem:s11+$0x30] =	vst v11  }
0xe6: {  	v8 =	vld.idx.msk [tilespmem:v8+s6+$0x0], $0xffff;
	[tilespmem:s11+$0xFFFFFFD0] =	vst v12  }
0xe7: {  	v9 =	vld.idx.msk [tilespmem:v9+s6+$0x0], $0xffff;
	[tilespmem:s11+$0xFFFFFFE0] =	vst v14  }
0xe8: {  	[tilespmem:s11+$0xFFFFFFF0] =	vst v15  }
0xe9: {  	[tilespmem:s11+$0x0] =	vst v16  }
0xea: {  	[tilespmem:s11+$0xFFFFFFC0] =	vst v10  }
0xeb: {  	[tilespmem:s11+$0x10] =	vst v8  }
0xec: {  	[tilespmem:s11+$0x20] =	vst v9  }
0xed: {  	v15 =	vld [tilespmem:s5+$0xFFFFFFC0]  }
0xee: {  	v8 =	vmov s2;
	v10 =	vld [tilespmem:s5+$0xFFFFFFF0]  }
0xef: {  	v8 =	vshrl.u32 v8, $0x7;
	v9 =	vld [tilespmem:s5+$0x30]  }
0xf0: {  	v16 =	vld [tilespmem:s5+$0x10];
	v8 =	vshll.u32 v8, $0x7  }
0xf1: {  	v12 =	vld [tilespmem:s5+$0x0];
	v8 =	vbroadcast v8, $0x0;
	_ =	sdelay $0x1  }
0xf2: {  	v13 =	vor.u32 v0, v8;
	vm0 =	vgt.s32 v15, $0xC300  }
0xf3: {  	v11 =	vadd.s32 $0xFFFE7980, v15;
	vm1 =	vgt.s32 v9, $0xC300;
	v20 =	vadd.s32 $0xFFFE7980, v9  }
0xf4: {  	vm2 =	vgt.s32 v10, $0xC300;
	v22 =	vadd.s32 $0xFFFE7980, v10;
	v23 =	vadd.s32 $0xFFFE7980, v16  }
0xf5: {  	vm4 =	vgt.s32 v12, $0xC300;
	v24 =	vadd.s32 $0xFFFE7980, v12;
	v14 =	vnsel vm0, $0xC300, v15  }
0xf6: {  	vm0 =	vgt.s32 v11, $0x0;
	v21 =	vnsel vm1, $0xC300, v9;
	vm1 =	vgt.s32 v16, $0xC300  }
0xf7: {  	vm3 =	vgt.s32 v22, $0x0;
	v25 =	vnsel vm4, $0xC300, v12;
	v19 =	vnsel vm0, $0x0, v11;
	v11 =	vld [tilespmem:s5+$0xFFFFFFD0]  }
0xf8: {  	vm14 =	vgt.s32 v24, $0x0;
	v18 =	vmin.u32 v14, $0x1867F;
	v14 =	vld [tilespmem:s5+$0xFFFFFFE0];
	v17 =	vnsel vm1, $0xC300, v16  }
0xf9: {  	vm15 =	vgt.s32 v20, $0x0;
	v24 =	vnsel vm14, $0x0, v24;
	v29 =	vmin.u32 v17, $0x1867F;
	v17 =	vld [tilespmem:s5+$0x20]  }
0xfa: {  	v33 =	vnsel vm2, $0xC300, v10;
	vm0 =	vgt.s32 v15, $0xC2FF;
	v34 =	vmin.u32 v25, $0x1867F  }
0xfb: {  	vm1 =	vgt.s32 v23, $0x0;
	v27 =	vnsel vm3, $0x0, v22;
	v20 =	vnsel vm15, $0x0, v20  }
0xfc: {  	v32 =	vmin.u32 v21, $0x1867F;
	v31 =	vnsel vm1, $0x0, v23;
	vm1 =	vgt.s32 v16, $0xC2FF;
	v25 =	vld.idx.msk [tilespmem:v19+s24+$0x0], $0xffff  }
0xfd: {  	vm5 =	vgt.s32 v11, $0xC300;
	vm3 =	vgt.s32 v14, $0xC300;
	v30 =	vadd.s32 $0xFFFE7980, v14;
	v26 =	vld.idx.msk [tilespmem:v18+s6+$0x0], $0xffff  }
0xfe: {  	v28 =	vadd.s32 $0xFFFE7980, v11;
	v18 =	vld.idx.msk [tilespmem:v24+s24+$0x0], $0xffff;
	v19 =	vnsel vm3, $0xC300, v14;
	vm3 =	vgt.s32 v17, $0xC300  }
0xff: {  	v21 =	vld.idx.msk [tilespmem:v34+s6+$0x0], $0xffff;
	v24 =	vor.u32 v5, v8;
	v22 =	vnsel vm5, $0xC300, v11;
	v35 =	vnsel vm3, $0xC300, v17  }
0x100: {  	vm2 =	vgt.s32 v30, $0x0;
	v23 =	vld.idx.msk [tilespmem:v29+s6+$0x0], $0xffff;
	v29 =	vmin.u32 v19, $0x1867F;
	v19 =	vmin.u32 v35, $0x1867F  }
.LBB2_9:
0x101: {  	s2 =	sadd.s32 $0x80, s2;
	v30 =	vnsel vm2, $0x0, v30;
	v33 =	vmin.u32 v33, $0x1867F;
	v27 =	vld.idx.msk [tilespmem:v27+s24+$0x0], $0xffff;
	v34 =	vadd.s32 $0xFFFE7980, v17  }
0x102: {  	vm2 =	vgt.s32 v15, $0x1867F;
	vm3 =	vgt.s32 v28, $0x0;
	v35 =	vmov s2;
	p1 =	slt.u32 s2, $0xF80;
	v31 =	vld.idx.msk [tilespmem:v31+s24+$0x0], $0xffff  }
0x103: {  	vm4 =	vgt.s32 v16, $0x1867F;
	vm5 =	vgt.s32 v34, $0x0;
	v15 =	vshrl.u32 v35, $0x7;
	v35 =	vld [tilespmem:s21+$0xFFFFFFF0]  }
0x104: {  	v16 =	vsel vm2, v25, v26;
	v25 =	vnsel vm5, $0x0, v34;
	v15 =	vshll.u32 v15, $0x7;
	v26 =	vld.idx.msk [tilespmem:v32+s6+$0x0], $0xffff  }
0x105: {  	v28 =	vnsel vm3, $0x0, v28;
	vm2 =	vgt.s32 v9, $0xC2FF;
	v32 =	vbroadcast v15, $0x0;
	v34 =	vld [tilespmem:s21+$0x30];
	[tilespmem:v13+s3+$0x0] =	vst.idx.msk vm0, v16  }
0x106: {  	v36 =	vor.u32 v2, v8;
	vm3 =	vgt.s32 v17, $0x1867F;
	vm5 =	vgt.s32 v10, $0xC2FF;
	v15 =	vld [tilespmem:s21+$0xFFFFFFC0]  }
0x107: {  	v38 =	vor.u32 v1, v8;
	vm6 =	vgt.s32 v14, $0x1867F;
	v13 =	vor.u32 v0, v32;
	v37 =	vld [tilespmem:s21+$0x0]  }
0x108: {  	v16 =	vsel vm4, v31, v23;
	vm4 =	vgt.s32 v17, $0xC2FF;
	v23 =	vor.u32 v6, v8;
	v29 =	vld.idx.msk [tilespmem:v29+s6+$0x0], $0xffff  }
0x109: {  	vm8 =	vgt.s32 v10, $0x1867F;
	[tilespmem:v24+s3+$0x0] =	vst.idx.msk vm1, v16;
	v24 =	vld.idx.msk [tilespmem:v25+s24+$0x0], $0xffff;
	vm1 =	vgt.s32 v9, $0x1867F;
	v25 =	vor.u32 v7, v8  }
0x10a: {  	vm11 =	vgt.s32 v12, $0xC2FF;
	v17 =	vmin.u32 v22, $0x1867F;
	v22 =	vor.u32 v4, v8;
	v10 =	vmovc v35;
	v20 =	vld.idx.msk [tilespmem:v20+s24+$0x0], $0xffff;
	v9 =	vmovc v34  }
0x10b: {  	vm7 =	vgt.s32 v12, $0x1867F;
	vm0 =	vgt.s32 v15, $0xC300;
	v31 =	vadd.s32 $0xFFFE7980, v15;
	v16 =	vld [tilespmem:s21+$0x10]  }
0x10c: {  	v18 =	vsel vm7, v18, v21;
	v34 =	vnsel vm0, $0xC300, v15;
	vm0 =	vgt.s32 v31, $0x0;
	v33 =	vld.idx.msk [tilespmem:v33+s6+$0x0], $0xffff;
	v12 =	vmovc v37  }
0x10d: {  	v21 =	vmin.u32 v34, $0x1867F;
	v31 =	vnsel vm0, $0x0, v31;
	vm0 =	vgt.s32 v15, $0xC2FF;
	v30 =	vld.idx.msk [tilespmem:v30+s24+$0x0], $0xffff  }
0x10e: {  	vm9 =	vgt.s32 v14, $0xC2FF;
	vm10 =	vgt.s32 v9, $0xC300;
	v35 =	vadd.s32 $0xFFFE7980, v9;
	v34 =	vld [tilespmem:s21+$0xFFFFFFD0]  }
0x10f: {  	v39 =	vor.u32 v3, v8;
	vm7 =	vgt.s32 v10, $0xC300;
	v8 =	vmovc v32;
	v37 =	vnsel vm10, $0xC300, v9;
	v19 =	vld.idx.msk [tilespmem:v19+s6+$0x0], $0xffff  }
0x110: {  	vm12 =	vgt.s32 v11, $0x1867F;
	v32 =	vadd.s32 $0xFFFE7980, v10;
	vm10 =	vgt.s32 v11, $0xC2FF;
	v28 =	vld.idx.msk [tilespmem:v28+s24+$0x0], $0xffff;
	[tilespmem:v22+s3+$0x0] =	vst.idx.msk vm11, v18  }
0x111: {  	vm13 =	vgt.s32 v32, $0x0;
	vm11 =	vgt.s32 v16, $0xC300;
	v18 =	vadd.s32 $0xFFFE7980, v16;
	v22 =	vld.idx.msk [tilespmem:v17+s6+$0x0], $0xffff  }
0x112: {  	v17 =	vnsel vm11, $0xC300, v16;
	vm11 =	vgt.s32 v18, $0x0;
	v27 =	vsel vm8, v27, v33;
	v14 =	vld [tilespmem:s21+$0xFFFFFFE0]  }
0x113: {  	vm8 =	vgt.s32 v12, $0xC300;
	v33 =	vadd.s32 $0xFFFE7980, v12;
	v29 =	vsel vm6, v30, v29;
	v11 =	vmovc v34  }
0x114: {  	v20 =	vsel vm1, v20, v26;
	v30 =	vnsel vm8, $0xC300, v12;
	vm6 =	vgt.s32 v33, $0x0;
	[tilespmem:v39+s3+$0x0] =	vst.idx.msk vm5, v27  }
0x115: {  	v34 =	vmin.u32 v30, $0x1867F;
	v39 =	vmin.u32 v17, $0x1867F;
	v19 =	vsel vm3, v24, v19;
	v17 =	vld [tilespmem:s21+$0x20];
	[tilespmem:v25+s3+$0x0] =	vst.idx.msk vm2, v20  }
0x116: {  	vm1 =	vgt.s32 v11, $0xC300;
	v27 =	vnsel vm13, $0x0, v32;
	v24 =	vnsel vm6, $0x0, v33;
	[tilespmem:v23+s3+$0x0] =	vst.idx.msk vm4, v19  }
0x117: {  	vm3 =	vgt.s32 v35, $0x0;
	v19 =	vsel vm12, v28, v22;
	vm2 =	vgt.s32 v14, $0xC300;
	[tilespmem:v36+s3+$0x0] =	vst.idx.msk vm9, v29  }
.Ltmp3:
0x118: {  	v20 =	vnsel vm3, $0x0, v35;
	v30 =	vadd.s32 $0xFFFE7980, v14;
	v25 =	vld.idx.msk [tilespmem:v31+s24+$0x0], $0xffff;
	v29 =	vnsel vm2, $0xC300, v14;
	[tilespmem:v38+s3+$0x0] =	vst.idx.msk vm10, v19;
	(pc) =	sbr.rel @p1 .LBB2_9-.Ltmp3, $4  }
0x119: {  	v33 =	vnsel vm7, $0xC300, v10;
	v22 =	vnsel vm1, $0xC300, v11;
	v31 =	vnsel vm11, $0x0, v18;
	v26 =	vld.idx.msk [tilespmem:v21+s6+$0x0], $0xffff  }
0x11a: {  	v28 =	vadd.s32 $0xFFFE7980, v11;
	vm2 =	vgt.s32 v30, $0x0;
	v23 =	vld.idx.msk [tilespmem:v39+s6+$0x0], $0xffff;
	vm3 =	vgt.s32 v17, $0xC300  }
0x11b: {  	v32 =	vmin.u32 v37, $0x1867F;
	vm1 =	vgt.s32 v16, $0xC2FF;
	v18 =	vld.idx.msk [tilespmem:v24+s24+$0x0], $0xffff;
	v19 =	vnsel vm3, $0xC300, v17  }
0x11c: {  	s21 =	sadd.s32 $0x80, s21;
	v29 =	vmin.u32 v29, $0x1867F;
	v24 =	vor.u32 v5, v8;
	v21 =	vld.idx.msk [tilespmem:v34+s6+$0x0], $0xffff;
	v19 =	vmin.u32 v19, $0x1867F  }
0x11d: {  	_ =	sdelay $0x3  }
0x11e: {  	v27 =	vld.idx.msk [tilespmem:v27+s24+$0x0], $0xffff  }
0x11f: {  	v34 =	vadd.s32 $0xFFFE7980, v17;
	v33 =	vmin.u32 v33, $0x1867F;
	v31 =	vld.idx.msk [tilespmem:v31+s24+$0x0], $0xffff  }
0x120: {  	v30 =	vnsel vm2, $0x0, v30;
	v32 =	vld.idx.msk [tilespmem:v32+s6+$0x0], $0xffff;
	vm3 =	vgt.s32 v34, $0x0  }
0x121: {  	vm8 =	vgt.s32 v28, $0x0;
	v29 =	vld.idx.msk [tilespmem:v29+s6+$0x0], $0xffff;
	v34 =	vnsel vm3, $0x0, v34  }
0x122: {  	vm9 =	vgt.s32 v15, $0x1867F;
	vm10 =	vgt.s32 v16, $0x1867F;
	v20 =	vld.idx.msk [tilespmem:v20+s24+$0x0], $0xffff;
	v15 =	vnsel vm8, $0x0, v28  }
0x123: {  	v16 =	vmin.u32 v22, $0x1867F;
	vm4 =	vgt.s32 v12, $0xC2FF;
	vm11 =	vgt.s32 v10, $0xC2FF;
	v19 =	vld.idx.msk [tilespmem:v19+s6+$0x0], $0xffff  }
0x124: {  	v54 =	vor.u32 v4, v8;
	vm5 =	vgt.s32 v9, $0xC2FF;
	v56 =	vor.u32 v2, v8;
	v55 =	vld.idx.msk [tilespmem:v33+s6+$0x0], $0xffff  }
0x125: {  	v57 =	vor.u32 v3, v8;
	vm12 =	vgt.s32 v17, $0xC2FF;
	v58 =	vor.u32 v7, v8;
	v30 =	vld.idx.msk [tilespmem:v30+s24+$0x0], $0xffff  }
0x126: {  	vm13 =	vgt.s32 v12, $0x1867F;
	vm6 =	vgt.s32 v14, $0xC2FF;
	v53 =	vsel vm9, v25, v26;
	v52 =	vld.idx.msk [tilespmem:v34+s24+$0x0], $0xffff  }
0x127: {  	[tilespmem:v13+s3+$0x0] =	vst.idx.msk vm0, v53;
	v13 =	vor.u32 v6, v8;
	v23 =	vsel vm10, v31, v23;
	v12 =	vld.idx.msk [tilespmem:v15+s24+$0x0], $0xffff  }
0x128: {  	vm14 =	vgt.s32 v10, $0x1867F;
	vm15 =	vgt.s32 v11, $0xC2FF;
	v10 =	vsel vm13, v18, v21;
	[tilespmem:v24+s3+$0x0] =	vst.idx.msk vm1, v23;
	v15 =	vld.idx.msk [tilespmem:v16+s6+$0x0], $0xffff  }
0x129: {  	vm7 =	vgt.s32 v9, $0x1867F;
	v8 =	vor.u32 v1, v8;
	[tilespmem:v54+s3+$0x0] =	vst.idx.msk vm4, v10;
	v9 =	vsel vm14, v27, v55  }
0x12a: {  	vm9 =	vgt.s32 v17, $0x1867F;
	[tilespmem:v57+s3+$0x0] =	vst.idx.msk vm11, v9;
	v9 =	vsel vm7, v20, v32  }
0x12b: {  	vm10 =	vgt.s32 v14, $0x1867F;
	v10 =	vsel vm9, v52, v19;
	[tilespmem:v58+s3+$0x0] =	vst.idx.msk vm5, v9  }
0x12c: {  	vm11 =	vgt.s32 v11, $0x1867F;
	v9 =	vsel vm10, v30, v29;
	[tilespmem:v13+s3+$0x0] =	vst.idx.msk vm12, v10  }
0x12d: {  	v10 =	vsel vm11, v12, v15;
	[tilespmem:v56+s3+$0x0] =	vst.idx.msk vm6, v9  }
0x12e: {  	s2 =	sadd.s32 s23, s14;
	[tilespmem:v8+s3+$0x0] =	vst.idx.msk vm15, v10  }
0x12f: {  	[hbm4b:s2+s19] =	stream.strided.scatter [tilespmem:s3], [sflag:$0x7], $0x1000, s20, s19, $0x38;
	[tilespmem:$0x1C700] =	vst v63  }
0x130: {  	_ =	swait.ge [sflag:s25], $0x1000  }
0x131: {  	[sflag:s25] =	ssyncset.done $0x0  }
0x132: {  	s21 =	sadd.s32 s4, s15;
	[sflag:s25] =	ssyncadd.s32 $0xFFFFF000  }
0x133: {  	[tilespmem:s26], [sflag:$0x5] =	stream.strided.gather [hbm4b:s21+s19], $0x1000, s20, s19, $0x38;
	[tilespmem:$0x1C700] =	vst v63  }
0x134: {  	_ =	swait.ge [sflag:s0], $0x1000  }
0x135: {  	[sflag:s0] =	ssyncset.done $0x0  }
0x136: {  	s5 =	simm.s32 $0x18740;
	[sflag:s0] =	ssyncadd.s32 $0xFFFFF000  }
0x137: {  	v8 =	vld [tilespmem:s5+$0x30]  }
0x138: {  	v11 =	vld [tilespmem:s5+$0xFFFFFFF0]  }
0x139: {  	v12 =	vld [tilespmem:s5+$0x0]  }
0x13a: {  	v9 =	vld [tilespmem:s5+$0xFFFFFFD0]  }
0x13b: {  	v10 =	vld [tilespmem:s5+$0xFFFFFFE0]  }
0x13c: {  	v13 =	vld [tilespmem:s5+$0x10]  }
0x13d: {  	v14 =	vld [tilespmem:s5+$0x20];
	vm15 =	vlt.s32 v11, $0x1867F  }
0x13e: {  	s4 =	simm.s32 $0x187C0;
	v15 =	vld [tilespmem:s5+$0xFFFFFFC0];
	vm4 =	vlt.s32 v12, $0x1867F;
	v11 =	vnsel vm15, $0x1867F, v11  }
0x13f: {  	v18 =	vld [tilespmem:s4+$0xFFFFFFE0];
	v12 =	vnsel vm4, $0x1867F, v12  }
0x140: {  	v19 =	vld [tilespmem:s4+$0xFFFFFFF0]  }
0x141: {  	v59 =	vld [tilespmem:s4+$0x0]  }
0x142: {  	v60 =	vld [tilespmem:s4+$0x10];
	vm12 =	vlt.s32 v8, $0x1867F  }
0x143: {  	vm13 =	vlt.s32 v9, $0x1867F;
	v8 =	vnsel vm12, $0x1867F, v8;
	v16 =	vld.idx.msk [tilespmem:v11+s6+$0x0], $0xffff  }
0x144: {  	vm14 =	vlt.s32 v10, $0x1867F;
	v9 =	vnsel vm13, $0x1867F, v9;
	v17 =	vld.idx.msk [tilespmem:v12+s6+$0x0], $0xffff  }
0x145: {  	v10 =	vnsel vm14, $0x1867F, v10;
	v11 =	vld [tilespmem:s4+$0x30]  }
0x146: {  	vm5 =	vlt.s32 v15, $0x1867F;
	v12 =	vld [tilespmem:s4+$0xFFFFFFD0]  }
0x147: {  	v61 =	vld [tilespmem:s4+$0x20];
	vm6 =	vlt.s32 v13, $0x1867F;
	v15 =	vnsel vm5, $0x1867F, v15  }
0x148: {  	vm7 =	vlt.s32 v14, $0x1867F;
	v13 =	vnsel vm6, $0x1867F, v13;
	v8 =	vld.idx.msk [tilespmem:v8+s6+$0x0], $0xffff  }
0x149: {  	vm10 =	vlt.s32 v18, $0x1867F;
	v14 =	vnsel vm7, $0x1867F, v14;
	v9 =	vld.idx.msk [tilespmem:v9+s6+$0x0], $0xffff  }
0x14a: {  	v18 =	vnsel vm10, $0x1867F, v18;
	v10 =	vld.idx.msk [tilespmem:v10+s6+$0x0], $0xffff;
	vm8 =	vlt.s32 v11, $0x1867F  }
0x14b: {  	v62 =	vld [tilespmem:s4+$0xFFFFFFC0];
	vm9 =	vlt.s32 v12, $0x1867F;
	v11 =	vnsel vm8, $0x1867F, v11  }
0x14c: {  	s8 =	simm.s32 $0x1A740;
	vm11 =	vlt.s32 v19, $0x1867F;
	vm12 =	vlt.s32 v59, $0x1867F;
	v63 =	vld.idx.msk [tilespmem:v15+s6+$0x0], $0xffff;
	v12 =	vnsel vm9, $0x1867F, v12  }
0x14d: {  	v20 =	vnsel vm12, $0x1867F, v59;
	[tilespmem:s8+$0x30] =	vst v8;
	v8 =	vnsel vm11, $0x1867F, v19;
	v19 =	vld.idx.msk [tilespmem:v13+s6+$0x0], $0xffff  }
0x14e: {  	[tilespmem:s8+$0xFFFFFFD0] =	vst v9;
	v13 =	vld.idx.msk [tilespmem:v14+s6+$0x0], $0xffff  }
0x14f: {  	[tilespmem:s8+$0xFFFFFFE0] =	vst v10;
	v14 =	vld.idx.msk [tilespmem:v18+s6+$0x0], $0xffff  }
0x150: {  	[tilespmem:s8+$0xFFFFFFF0] =	vst v16;
	v11 =	vld.idx.msk [tilespmem:v11+s6+$0x0], $0xffff  }
0x151: {  	[tilespmem:s8+$0x0] =	vst v17;
	v12 =	vld.idx.msk [tilespmem:v12+s6+$0x0], $0xffff  }
0x152: {  	vm13 =	vlt.s32 v60, $0x1867F;
	vm14 =	vlt.s32 v61, $0x1867F;
	vm15 =	vlt.s32 v62, $0x1867F;
	[tilespmem:s8+$0xFFFFFFC0] =	vst v63;
	v16 =	vld.idx.msk [tilespmem:v20+s6+$0x0], $0xffff  }
0x153: {  	s10 =	simm.s32 $0x80;
	s11 =	simm.s32 $0x18840;
	s2 =	simm.s32 $0x0;
	v9 =	vnsel vm14, $0x1867F, v61;
	v10 =	vnsel vm15, $0x1867F, v62;
	v15 =	vld.idx.msk [tilespmem:v8+s6+$0x0], $0xffff;
	v8 =	vnsel vm13, $0x1867F, v60;
	[tilespmem:s8+$0x10] =	vst v19  }
.LBB2_11:
0x154: {  	v17 =	vld [tilespmem:s11+$0x30];
	s10 =	sadd.s32 $0x80, s10;
	[tilespmem:s8+$0x20] =	vst v13;
	s8 =	sadd.s32 $0x80, s8  }
0x155: {  	v13 =	vld [tilespmem:s11+$0xFFFFFFD0];
	p1 =	slt.u32 s10, $0xF80;
	[tilespmem:s8+$0x30] =	vst v11  }
0x156: {  	v11 =	vld [tilespmem:s11+$0xFFFFFFE0];
	[tilespmem:s8+$0xFFFFFFD0] =	vst v12  }
0x157: {  	v12 =	vld [tilespmem:s11+$0xFFFFFFF0];
	[tilespmem:s8+$0xFFFFFFE0] =	vst v14  }
0x158: {  	v14 =	vld [tilespmem:s11+$0x0];
	[tilespmem:s8+$0xFFFFFFF0] =	vst v15  }
0x159: {  	v15 =	vld [tilespmem:s11+$0x10];
	vm0 =	vlt.s32 v17, $0x1867F;
	[tilespmem:s8+$0x0] =	vst v16  }
0x15a: {  	vm1 =	vlt.s32 v13, $0x1867F;
	v16 =	vld [tilespmem:s11+$0x20];
	v17 =	vnsel vm0, $0x1867F, v17  }
0x15b: {  	v18 =	vld [tilespmem:s11+$0xFFFFFFC0];
	v19 =	vnsel vm1, $0x1867F, v13;
	vm0 =	vlt.s32 v11, $0x1867F  }
0x15c: {  	v20 =	vnsel vm0, $0x1867F, v11;
	vm0 =	vlt.s32 v12, $0x1867F;
	v21 =	vld.idx.msk [tilespmem:v10+s6+$0x0], $0xffff  }
0x15d: {  	v22 =	vnsel vm0, $0x1867F, v12;
	vm0 =	vlt.s32 v14, $0x1867F;
	v23 =	vld.idx.msk [tilespmem:v8+s6+$0x0], $0xffff  }
0x15e: {  	v24 =	vnsel vm0, $0x1867F, v14;
	vm0 =	vlt.s32 v15, $0x1867F;
	v13 =	vld.idx.msk [tilespmem:v9+s6+$0x0], $0xffff  }
.Ltmp4:
0x15f: {  	v8 =	vnsel vm0, $0x1867F, v15;
	vm0 =	vlt.s32 v16, $0x1867F;
	v11 =	vld.idx.msk [tilespmem:v17+s6+$0x0], $0xffff;
	(pc) =	sbr.rel @p1 .LBB2_11-.Ltmp4, $4  }
0x160: {  	vm1 =	vlt.s32 v18, $0x1867F;
	v12 =	vld.idx.msk [tilespmem:v19+s6+$0x0], $0xffff;
	v9 =	vnsel vm0, $0x1867F, v16  }
0x161: {  	v10 =	vnsel vm1, $0x1867F, v18;
	v14 =	vld.idx.msk [tilespmem:v20+s6+$0x0], $0xffff  }
0x162: {  	v15 =	vld.idx.msk [tilespmem:v22+s6+$0x0], $0xffff;
	[tilespmem:s8+$0xFFFFFFC0] =	vst v21  }
0x163: {  	s11 =	sadd.s32 $0x80, s11;
	v16 =	vld.idx.msk [tilespmem:v24+s6+$0x0], $0xffff;
	[tilespmem:s8+$0x10] =	vst v23  }
0x164: {  	_ =	sdelay $0x2  }
0x165: {  	[tilespmem:s8+$0x20] =	vst v13;
	s21 =	sadd.s32 $0x80, s8  }
0x166: {  	v10 =	vld.idx.msk [tilespmem:v10+s6+$0x0], $0xffff;
	[tilespmem:s21+$0x30] =	vst v11  }
0x167: {  	v8 =	vld.idx.msk [tilespmem:v8+s6+$0x0], $0xffff;
	[tilespmem:s21+$0xFFFFFFD0] =	vst v12  }
0x168: {  	v9 =	vld.idx.msk [tilespmem:v9+s6+$0x0], $0xffff;
	[tilespmem:s21+$0xFFFFFFE0] =	vst v14  }
0x169: {  	[tilespmem:s21+$0xFFFFFFF0] =	vst v15  }
0x16a: {  	[tilespmem:s21+$0x0] =	vst v16  }
0x16b: {  	[tilespmem:s21+$0xFFFFFFC0] =	vst v10  }
0x16c: {  	[tilespmem:s21+$0x10] =	vst v8  }
0x16d: {  	[tilespmem:s21+$0x20] =	vst v9  }
0x16e: {  	v15 =	vld [tilespmem:s5+$0xFFFFFFC0]  }
0x16f: {  	v8 =	vmov s2;
	v10 =	vld [tilespmem:s5+$0xFFFFFFF0]  }
0x170: {  	v8 =	vshrl.u32 v8, $0x7;
	v9 =	vld [tilespmem:s5+$0x30]  }
0x171: {  	v16 =	vld [tilespmem:s5+$0x10];
	v8 =	vshll.u32 v8, $0x7  }
0x172: {  	v12 =	vld [tilespmem:s5+$0x0];
	v8 =	vbroadcast v8, $0x0;
	_ =	sdelay $0x1  }
0x173: {  	v13 =	vor.u32 v0, v8;
	vm0 =	vgt.s32 v15, $0xC300  }
0x174: {  	v11 =	vadd.s32 $0xFFFE7980, v15;
	vm1 =	vgt.s32 v9, $0xC300;
	v20 =	vadd.s32 $0xFFFE7980, v9  }
0x175: {  	vm2 =	vgt.s32 v10, $0xC300;
	v22 =	vadd.s32 $0xFFFE7980, v10;
	v23 =	vadd.s32 $0xFFFE7980, v16  }
0x176: {  	vm4 =	vgt.s32 v12, $0xC300;
	v24 =	vadd.s32 $0xFFFE7980, v12;
	v14 =	vnsel vm0, $0xC300, v15  }
0x177: {  	vm0 =	vgt.s32 v11, $0x0;
	v21 =	vnsel vm1, $0xC300, v9;
	vm1 =	vgt.s32 v16, $0xC300  }
0x178: {  	vm3 =	vgt.s32 v22, $0x0;
	v25 =	vnsel vm4, $0xC300, v12;
	v19 =	vnsel vm0, $0x0, v11;
	v11 =	vld [tilespmem:s5+$0xFFFFFFD0]  }
0x179: {  	vm14 =	vgt.s32 v24, $0x0;
	v18 =	vmin.u32 v14, $0x1867F;
	v14 =	vld [tilespmem:s5+$0xFFFFFFE0];
	v17 =	vnsel vm1, $0xC300, v16  }
0x17a: {  	vm15 =	vgt.s32 v20, $0x0;
	v24 =	vnsel vm14, $0x0, v24;
	v29 =	vmin.u32 v17, $0x1867F;
	v17 =	vld [tilespmem:s5+$0x20]  }
0x17b: {  	v33 =	vnsel vm2, $0xC300, v10;
	vm0 =	vgt.s32 v15, $0xC2FF;
	v34 =	vmin.u32 v25, $0x1867F  }
0x17c: {  	vm1 =	vgt.s32 v23, $0x0;
	v27 =	vnsel vm3, $0x0, v22;
	v20 =	vnsel vm15, $0x0, v20  }
0x17d: {  	v32 =	vmin.u32 v21, $0x1867F;
	v31 =	vnsel vm1, $0x0, v23;
	vm1 =	vgt.s32 v16, $0xC2FF;
	v25 =	vld.idx.msk [tilespmem:v19+s24+$0x0], $0xffff  }
0x17e: {  	vm5 =	vgt.s32 v11, $0xC300;
	vm3 =	vgt.s32 v14, $0xC300;
	v30 =	vadd.s32 $0xFFFE7980, v14;
	v26 =	vld.idx.msk [tilespmem:v18+s6+$0x0], $0xffff  }
0x17f: {  	v28 =	vadd.s32 $0xFFFE7980, v11;
	v18 =	vld.idx.msk [tilespmem:v24+s24+$0x0], $0xffff;
	v19 =	vnsel vm3, $0xC300, v14;
	vm3 =	vgt.s32 v17, $0xC300  }
0x180: {  	v21 =	vld.idx.msk [tilespmem:v34+s6+$0x0], $0xffff;
	v24 =	vor.u32 v5, v8;
	v22 =	vnsel vm5, $0xC300, v11;
	v35 =	vnsel vm3, $0xC300, v17  }
0x181: {  	vm2 =	vgt.s32 v30, $0x0;
	v23 =	vld.idx.msk [tilespmem:v29+s6+$0x0], $0xffff;
	v29 =	vmin.u32 v19, $0x1867F;
	v19 =	vmin.u32 v35, $0x1867F  }
.LBB2_13:
0x182: {  	s2 =	sadd.s32 $0x80, s2;
	v30 =	vnsel vm2, $0x0, v30;
	v33 =	vmin.u32 v33, $0x1867F;
	v27 =	vld.idx.msk [tilespmem:v27+s24+$0x0], $0xffff;
	v34 =	vadd.s32 $0xFFFE7980, v17  }
0x183: {  	vm2 =	vgt.s32 v15, $0x1867F;
	vm3 =	vgt.s32 v28, $0x0;
	v35 =	vmov s2;
	p1 =	slt.u32 s2, $0xF80;
	v31 =	vld.idx.msk [tilespmem:v31+s24+$0x0], $0xffff  }
0x184: {  	vm4 =	vgt.s32 v16, $0x1867F;
	vm5 =	vgt.s32 v34, $0x0;
	v15 =	vshrl.u32 v35, $0x7;
	v35 =	vld [tilespmem:s4+$0xFFFFFFF0]  }
0x185: {  	v16 =	vsel vm2, v25, v26;
	v25 =	vnsel vm5, $0x0, v34;
	v15 =	vshll.u32 v15, $0x7;
	v26 =	vld.idx.msk [tilespmem:v32+s6+$0x0], $0xffff  }
0x186: {  	v28 =	vnsel vm3, $0x0, v28;
	vm2 =	vgt.s32 v9, $0xC2FF;
	v32 =	vbroadcast v15, $0x0;
	v34 =	vld [tilespmem:s4+$0x30];
	[tilespmem:v13+s30+$0x0] =	vst.idx.msk vm0, v16  }
0x187: {  	v36 =	vor.u32 v2, v8;
	vm3 =	vgt.s32 v17, $0x1867F;
	vm5 =	vgt.s32 v10, $0xC2FF;
	v15 =	vld [tilespmem:s4+$0xFFFFFFC0]  }
0x188: {  	v38 =	vor.u32 v1, v8;
	vm6 =	vgt.s32 v14, $0x1867F;
	v13 =	vor.u32 v0, v32;
	v37 =	vld [tilespmem:s4+$0x0]  }
0x189: {  	v16 =	vsel vm4, v31, v23;
	vm4 =	vgt.s32 v17, $0xC2FF;
	v23 =	vor.u32 v6, v8;
	v29 =	vld.idx.msk [tilespmem:v29+s6+$0x0], $0xffff  }
0x18a: {  	vm8 =	vgt.s32 v10, $0x1867F;
	[tilespmem:v24+s30+$0x0] =	vst.idx.msk vm1, v16;
	v24 =	vld.idx.msk [tilespmem:v25+s24+$0x0], $0xffff;
	vm1 =	vgt.s32 v9, $0x1867F;
	v25 =	vor.u32 v7, v8  }
0x18b: {  	vm11 =	vgt.s32 v12, $0xC2FF;
	v17 =	vmin.u32 v22, $0x1867F;
	v22 =	vor.u32 v4, v8;
	v10 =	vmovc v35;
	v20 =	vld.idx.msk [tilespmem:v20+s24+$0x0], $0xffff;
	v9 =	vmovc v34  }
0x18c: {  	vm7 =	vgt.s32 v12, $0x1867F;
	vm0 =	vgt.s32 v15, $0xC300;
	v31 =	vadd.s32 $0xFFFE7980, v15;
	v16 =	vld [tilespmem:s4+$0x10]  }
0x18d: {  	v18 =	vsel vm7, v18, v21;
	v34 =	vnsel vm0, $0xC300, v15;
	vm0 =	vgt.s32 v31, $0x0;
	v33 =	vld.idx.msk [tilespmem:v33+s6+$0x0], $0xffff;
	v12 =	vmovc v37  }
0x18e: {  	v21 =	vmin.u32 v34, $0x1867F;
	v31 =	vnsel vm0, $0x0, v31;
	vm0 =	vgt.s32 v15, $0xC2FF;
	v30 =	vld.idx.msk [tilespmem:v30+s24+$0x0], $0xffff  }
0x18f: {  	vm9 =	vgt.s32 v14, $0xC2FF;
	vm10 =	vgt.s32 v9, $0xC300;
	v35 =	vadd.s32 $0xFFFE7980, v9;
	v34 =	vld [tilespmem:s4+$0xFFFFFFD0]  }
0x190: {  	v39 =	vor.u32 v3, v8;
	vm7 =	vgt.s32 v10, $0xC300;
	v8 =	vmovc v32;
	v37 =	vnsel vm10, $0xC300, v9;
	v19 =	vld.idx.msk [tilespmem:v19+s6+$0x0], $0xffff  }
0x191: {  	vm12 =	vgt.s32 v11, $0x1867F;
	v32 =	vadd.s32 $0xFFFE7980, v10;
	vm10 =	vgt.s32 v11, $0xC2FF;
	v28 =	vld.idx.msk [tilespmem:v28+s24+$0x0], $0xffff;
	[tilespmem:v22+s30+$0x0] =	vst.idx.msk vm11, v18  }
0x192: {  	vm13 =	vgt.s32 v32, $0x0;
	vm11 =	vgt.s32 v16, $0xC300;
	v18 =	vadd.s32 $0xFFFE7980, v16;
	v22 =	vld.idx.msk [tilespmem:v17+s6+$0x0], $0xffff  }
0x193: {  	v17 =	vnsel vm11, $0xC300, v16;
	vm11 =	vgt.s32 v18, $0x0;
	v27 =	vsel vm8, v27, v33;
	v14 =	vld [tilespmem:s4+$0xFFFFFFE0]  }
0x194: {  	vm8 =	vgt.s32 v12, $0xC300;
	v33 =	vadd.s32 $0xFFFE7980, v12;
	v29 =	vsel vm6, v30, v29;
	v11 =	vmovc v34  }
0x195: {  	v20 =	vsel vm1, v20, v26;
	v30 =	vnsel vm8, $0xC300, v12;
	vm6 =	vgt.s32 v33, $0x0;
	[tilespmem:v39+s30+$0x0] =	vst.idx.msk vm5, v27  }
0x196: {  	v34 =	vmin.u32 v30, $0x1867F;
	v39 =	vmin.u32 v17, $0x1867F;
	v19 =	vsel vm3, v24, v19;
	v17 =	vld [tilespmem:s4+$0x20];
	[tilespmem:v25+s30+$0x0] =	vst.idx.msk vm2, v20  }
0x197: {  	vm1 =	vgt.s32 v11, $0xC300;
	v27 =	vnsel vm13, $0x0, v32;
	v24 =	vnsel vm6, $0x0, v33;
	[tilespmem:v23+s30+$0x0] =	vst.idx.msk vm4, v19  }
0x198: {  	vm3 =	vgt.s32 v35, $0x0;
	v19 =	vsel vm12, v28, v22;
	vm2 =	vgt.s32 v14, $0xC300;
	[tilespmem:v36+s30+$0x0] =	vst.idx.msk vm9, v29  }
.Ltmp5:
0x199: {  	v20 =	vnsel vm3, $0x0, v35;
	v30 =	vadd.s32 $0xFFFE7980, v14;
	v25 =	vld.idx.msk [tilespmem:v31+s24+$0x0], $0xffff;
	v29 =	vnsel vm2, $0xC300, v14;
	[tilespmem:v38+s30+$0x0] =	vst.idx.msk vm10, v19;
	(pc) =	sbr.rel @p1 .LBB2_13-.Ltmp5, $4  }
0x19a: {  	v33 =	vnsel vm7, $0xC300, v10;
	v22 =	vnsel vm1, $0xC300, v11;
	v31 =	vnsel vm11, $0x0, v18;
	v26 =	vld.idx.msk [tilespmem:v21+s6+$0x0], $0xffff  }
0x19b: {  	v28 =	vadd.s32 $0xFFFE7980, v11;
	vm2 =	vgt.s32 v30, $0x0;
	v23 =	vld.idx.msk [tilespmem:v39+s6+$0x0], $0xffff;
	vm3 =	vgt.s32 v17, $0xC300  }
0x19c: {  	v32 =	vmin.u32 v37, $0x1867F;
	vm1 =	vgt.s32 v16, $0xC2FF;
	v18 =	vld.idx.msk [tilespmem:v24+s24+$0x0], $0xffff;
	v19 =	vnsel vm3, $0xC300, v17  }
0x19d: {  	s4 =	sadd.s32 $0x80, s4;
	v29 =	vmin.u32 v29, $0x1867F;
	v24 =	vor.u32 v5, v8;
	v21 =	vld.idx.msk [tilespmem:v34+s6+$0x0], $0xffff;
	v19 =	vmin.u32 v19, $0x1867F  }
0x19e: {  	_ =	sdelay $0x3  }
0x19f: {  	v27 =	vld.idx.msk [tilespmem:v27+s24+$0x0], $0xffff  }
0x1a0: {  	v34 =	vadd.s32 $0xFFFE7980, v17;
	v33 =	vmin.u32 v33, $0x1867F;
	v31 =	vld.idx.msk [tilespmem:v31+s24+$0x0], $0xffff  }
0x1a1: {  	v30 =	vnsel vm2, $0x0, v30;
	v32 =	vld.idx.msk [tilespmem:v32+s6+$0x0], $0xffff;
	vm3 =	vgt.s32 v34, $0x0  }
0x1a2: {  	vm8 =	vgt.s32 v28, $0x0;
	v29 =	vld.idx.msk [tilespmem:v29+s6+$0x0], $0xffff;
	v34 =	vnsel vm3, $0x0, v34  }
0x1a3: {  	vm9 =	vgt.s32 v15, $0x1867F;
	vm10 =	vgt.s32 v16, $0x1867F;
	v20 =	vld.idx.msk [tilespmem:v20+s24+$0x0], $0xffff;
	v15 =	vnsel vm8, $0x0, v28  }
0x1a4: {  	v16 =	vmin.u32 v22, $0x1867F;
	vm4 =	vgt.s32 v12, $0xC2FF;
	vm11 =	vgt.s32 v10, $0xC2FF;
	v19 =	vld.idx.msk [tilespmem:v19+s6+$0x0], $0xffff  }
0x1a5: {  	v54 =	vor.u32 v4, v8;
	vm5 =	vgt.s32 v9, $0xC2FF;
	v56 =	vor.u32 v2, v8;
	v55 =	vld.idx.msk [tilespmem:v33+s6+$0x0], $0xffff  }
0x1a6: {  	v57 =	vor.u32 v3, v8;
	vm12 =	vgt.s32 v17, $0xC2FF;
	v58 =	vor.u32 v7, v8;
	v30 =	vld.idx.msk [tilespmem:v30+s24+$0x0], $0xffff  }
0x1a7: {  	vm13 =	vgt.s32 v12, $0x1867F;
	vm6 =	vgt.s32 v14, $0xC2FF;
	v53 =	vsel vm9, v25, v26;
	v52 =	vld.idx.msk [tilespmem:v34+s24+$0x0], $0xffff  }
0x1a8: {  	[tilespmem:v13+s30+$0x0] =	vst.idx.msk vm0, v53;
	v13 =	vor.u32 v6, v8;
	v23 =	vsel vm10, v31, v23;
	v12 =	vld.idx.msk [tilespmem:v15+s24+$0x0], $0xffff  }
0x1a9: {  	vm14 =	vgt.s32 v10, $0x1867F;
	vm15 =	vgt.s32 v11, $0xC2FF;
	v10 =	vsel vm13, v18, v21;
	[tilespmem:v24+s30+$0x0] =	vst.idx.msk vm1, v23;
	v15 =	vld.idx.msk [tilespmem:v16+s6+$0x0], $0xffff  }
0x1aa: {  	vm7 =	vgt.s32 v9, $0x1867F;
	v8 =	vor.u32 v1, v8;
	[tilespmem:v54+s30+$0x0] =	vst.idx.msk vm4, v10;
	v9 =	vsel vm14, v27, v55  }
0x1ab: {  	vm9 =	vgt.s32 v17, $0x1867F;
	[tilespmem:v57+s30+$0x0] =	vst.idx.msk vm11, v9;
	v9 =	vsel vm7, v20, v32  }
0x1ac: {  	vm10 =	vgt.s32 v14, $0x1867F;
	v10 =	vsel vm9, v52, v19;
	[tilespmem:v58+s30+$0x0] =	vst.idx.msk vm5, v9  }
0x1ad: {  	vm11 =	vgt.s32 v11, $0x1867F;
	v9 =	vsel vm10, v30, v29;
	[tilespmem:v13+s30+$0x0] =	vst.idx.msk vm12, v10  }
0x1ae: {  	v10 =	vsel vm11, v12, v15;
	[tilespmem:v56+s30+$0x0] =	vst.idx.msk vm6, v9  }
0x1af: {  	s2 =	sadd.s32 s23, s16;
	[tilespmem:v8+s30+$0x0] =	vst.idx.msk vm15, v10  }
0x1b0: {  	[hbm4b:s2+s19] =	stream.strided.scatter [tilespmem:s30], [sflag:$0x6], $0x1000, s20, s19, $0x38;
	[tilespmem:$0x1C700] =	vst v63  }
0x1b1: {  	s4 =	sadd.s32 $0x1, s18;
	p1 =	seq.s32 s18, $0x19;
	_ =	swait.ge [sflag:s31], $0x1000  }
0x1b2: {  	s5 =	sshll.u32 @!p1 s4, $0xB;
	s2 =	sshll.u32 @!p1 s4, $0x4;
	[sflag:s31] =	ssyncset.done $0x0  }
0x1b3: {  	s10 =	simm.s32 @!p1 $0x18700;
	s2 =	sand.u32 @!p1 $0x70, s2;
	s8 =	rddreg [dreg:$0x1]  }
0x1b4: {  	s5 =	sand.u32 @!p1 $0x1C000, s5;
	[sflag:s31] =	ssyncadd.s32 $0xFFFFF000;
	s2 =	sadd.s32 @!p1 s8, s2  }
0x1b5: {  	s8 =	simm.s32 @!p1 $0x400;
	s2 =	sadd.s32 @!p1 s5, s2;
	s5 =	simm.s32 @!p1 $0x80  }
0x1b6: {  	[tilespmem:s10], [sflag:$0x4] =	stream.strided.gather @!p1 [hbm4b:s2+s5], $0x1000, s8, s5, $0x38;
	[tilespmem:$0x1C700] =	vst v63  }
0x1b7: {  	_ =	swait.ge [sflag:s9], $0x1000  }
0x1b8: {  	[sflag:s9] =	ssyncset.done $0x0  }
0x1b9: {  	s18 =	simm.s32 $0x19740;
	[sflag:s9] =	ssyncadd.s32 $0xFFFFF000  }
0x1ba: {  	v8 =	vld [tilespmem:s18+$0x30]  }
0x1bb: {  	v9 =	vld [tilespmem:s18+$0xFFFFFFD0]  }
0x1bc: {  	v10 =	vld [tilespmem:s18+$0xFFFFFFE0]  }
0x1bd: {  	v11 =	vld [tilespmem:s18+$0xFFFFFFF0]  }
0x1be: {  	v12 =	vld [tilespmem:s18+$0x0]  }
0x1bf: {  	v13 =	vld [tilespmem:s18+$0x10]  }
0x1c0: {  	v14 =	vld [tilespmem:s18+$0x20]  }
0x1c1: {  	s21 =	simm.s32 $0x197C0;
	v15 =	vld [tilespmem:s18+$0xFFFFFFC0]  }
0x1c2: {  	v16 =	vld [tilespmem:s21+$0x30]  }
0x1c3: {  	v17 =	vld [tilespmem:s21+$0xFFFFFFD0]  }
0x1c4: {  	v18 =	vld [tilespmem:s21+$0xFFFFFFE0];
	vm12 =	vlt.s32 v8, $0x1867F  }
0x1c5: {  	v19 =	vld [tilespmem:s21+$0xFFFFFFF0];
	vm13 =	vlt.s32 v9, $0x1867F;
	v8 =	vnsel vm12, $0x1867F, v8  }
0x1c6: {  	v59 =	vld [tilespmem:s21+$0x0];
	vm14 =	vlt.s32 v10, $0x1867F;
	v9 =	vnsel vm13, $0x1867F, v9  }
0x1c7: {  	v60 =	vld [tilespmem:s21+$0x10];
	vm15 =	vlt.s32 v11, $0x1867F;
	v10 =	vnsel vm14, $0x1867F, v10  }
0x1c8: {  	v61 =	vld [tilespmem:s21+$0x20];
	vm4 =	vlt.s32 v12, $0x1867F;
	v11 =	vnsel vm15, $0x1867F, v11  }
0x1c9: {  	v62 =	vld [tilespmem:s21+$0xFFFFFFC0];
	vm5 =	vlt.s32 v15, $0x1867F;
	v12 =	vnsel vm4, $0x1867F, v12  }
0x1ca: {  	vm7 =	vlt.s32 v14, $0x1867F;
	v15 =	vnsel vm5, $0x1867F, v15;
	v8 =	vld.idx.msk [tilespmem:v8+s6+$0x0], $0xffff  }
0x1cb: {  	vm6 =	vlt.s32 v13, $0x1867F;
	v14 =	vnsel vm7, $0x1867F, v14;
	v9 =	vld.idx.msk [tilespmem:v9+s6+$0x0], $0xffff  }
0x1cc: {  	vm8 =	vlt.s32 v16, $0x1867F;
	v13 =	vnsel vm6, $0x1867F, v13;
	v10 =	vld.idx.msk [tilespmem:v10+s6+$0x0], $0xffff  }
0x1cd: {  	v16 =	vnsel vm8, $0x1867F, v16;
	vm12 =	vlt.s32 v59, $0x1867F;
	v11 =	vld.idx.msk [tilespmem:v11+s6+$0x0], $0xffff  }
0x1ce: {  	vm9 =	vlt.s32 v17, $0x1867F;
	v20 =	vnsel vm12, $0x1867F, v59;
	v12 =	vld.idx.msk [tilespmem:v12+s6+$0x0], $0xffff  }
0x1cf: {  	s2 =	simm.s32 $0x1B740;
	vm10 =	vlt.s32 v18, $0x1867F;
	v17 =	vnsel vm9, $0x1867F, v17;
	v63 =	vld.idx.msk [tilespmem:v15+s6+$0x0], $0xffff  }
0x1d0: {  	vm11 =	vlt.s32 v19, $0x1867F;
	v18 =	vnsel vm10, $0x1867F, v18;
	v15 =	vld.idx.msk [tilespmem:v14+s6+$0x0], $0xffff;
	[tilespmem:s2+$0x30] =	vst v8  }
0x1d1: {  	v8 =	vnsel vm11, $0x1867F, v19;
	v19 =	vld.idx.msk [tilespmem:v13+s6+$0x0], $0xffff;
	[tilespmem:s2+$0xFFFFFFD0] =	vst v9  }
0x1d2: {  	v14 =	vld.idx.msk [tilespmem:v16+s6+$0x0], $0xffff;
	[tilespmem:s2+$0xFFFFFFE0] =	vst v10  }
0x1d3: {  	v16 =	vld.idx.msk [tilespmem:v20+s6+$0x0], $0xffff;
	[tilespmem:s2+$0xFFFFFFF0] =	vst v11  }
0x1d4: {  	v11 =	vld.idx.msk [tilespmem:v17+s6+$0x0], $0xffff;
	[tilespmem:s2+$0x0] =	vst v12  }
0x1d5: {  	vm13 =	vlt.s32 v60, $0x1867F;
	vm14 =	vlt.s32 v61, $0x1867F;
	vm15 =	vlt.s32 v62, $0x1867F;
	v12 =	vld.idx.msk [tilespmem:v18+s6+$0x0], $0xffff;
	[tilespmem:s2+$0xFFFFFFC0] =	vst v63  }
0x1d6: {  	s5 =	simm.s32 $0x80;
	s8 =	simm.s32 $0x19840;
	v9 =	vnsel vm14, $0x1867F, v61;
	v10 =	vnsel vm15, $0x1867F, v62;
	v13 =	vld.idx.msk [tilespmem:v8+s6+$0x0], $0xffff;
	v8 =	vnsel vm13, $0x1867F, v60;
	[tilespmem:s2+$0x10] =	vst v19  }
.LBB2_15:
0x1d7: {  	v17 =	vld [tilespmem:s8+$0x30];
	s5 =	sadd.s32 $0x80, s5;
	[tilespmem:s2+$0x20] =	vst v15;
	s2 =	sadd.s32 $0x80, s2  }
0x1d8: {  	v15 =	vld [tilespmem:s8+$0xFFFFFFD0];
	p2 =	slt.u32 s5, $0xF80;
	[tilespmem:s2+$0x30] =	vst v14  }
0x1d9: {  	v14 =	vld [tilespmem:s8+$0xFFFFFFE0];
	[tilespmem:s2+$0xFFFFFFD0] =	vst v11  }
0x1da: {  	v11 =	vld [tilespmem:s8+$0xFFFFFFF0];
	[tilespmem:s2+$0xFFFFFFE0] =	vst v12  }
0x1db: {  	v12 =	vld [tilespmem:s8+$0x0];
	[tilespmem:s2+$0xFFFFFFF0] =	vst v13  }
0x1dc: {  	v13 =	vld [tilespmem:s8+$0x10];
	vm0 =	vlt.s32 v17, $0x1867F;
	[tilespmem:s2+$0x0] =	vst v16  }
0x1dd: {  	vm1 =	vlt.s32 v15, $0x1867F;
	v16 =	vld [tilespmem:s8+$0x20];
	v17 =	vnsel vm0, $0x1867F, v17  }
0x1de: {  	v18 =	vld [tilespmem:s8+$0xFFFFFFC0];
	v19 =	vnsel vm1, $0x1867F, v15;
	vm0 =	vlt.s32 v14, $0x1867F  }
0x1df: {  	v20 =	vnsel vm0, $0x1867F, v14;
	vm0 =	vlt.s32 v11, $0x1867F;
	v21 =	vld.idx.msk [tilespmem:v10+s6+$0x0], $0xffff  }
0x1e0: {  	v22 =	vnsel vm0, $0x1867F, v11;
	vm0 =	vlt.s32 v12, $0x1867F;
	v23 =	vld.idx.msk [tilespmem:v8+s6+$0x0], $0xffff  }
0x1e1: {  	v24 =	vnsel vm0, $0x1867F, v12;
	vm0 =	vlt.s32 v13, $0x1867F;
	v15 =	vld.idx.msk [tilespmem:v9+s6+$0x0], $0xffff  }
.Ltmp6:
0x1e2: {  	v8 =	vnsel vm0, $0x1867F, v13;
	vm0 =	vlt.s32 v16, $0x1867F;
	v14 =	vld.idx.msk [tilespmem:v17+s6+$0x0], $0xffff;
	(pc) =	sbr.rel @p2 .LBB2_15-.Ltmp6, $4  }
0x1e3: {  	vm1 =	vlt.s32 v18, $0x1867F;
	v11 =	vld.idx.msk [tilespmem:v19+s6+$0x0], $0xffff;
	v9 =	vnsel vm0, $0x1867F, v16  }
0x1e4: {  	v10 =	vnsel vm1, $0x1867F, v18;
	v12 =	vld.idx.msk [tilespmem:v20+s6+$0x0], $0xffff  }
0x1e5: {  	v13 =	vld.idx.msk [tilespmem:v22+s6+$0x0], $0xffff;
	[tilespmem:s2+$0xFFFFFFC0] =	vst v21  }
0x1e6: {  	s8 =	sadd.s32 $0x80, s8;
	v16 =	vld.idx.msk [tilespmem:v24+s6+$0x0], $0xffff;
	[tilespmem:s2+$0x10] =	vst v23  }
0x1e7: {  	_ =	sdelay $0x1  }
0x1e8: {  	[tilespmem:s2+$0x20] =	vst v15;
	s18 =	sadd.s32 $0x80, s2  }
0x1e9: {  	[tilespmem:s18+$0x30] =	vst v14  }
0x1ea: {  	s5 =	sshll.u32 @!p1 s4, $0x5;
	v10 =	vld.idx.msk [tilespmem:v10+s6+$0x0], $0xffff;
	s8 =	rddreg [dreg:$0x4]  }
0x1eb: {  	v8 =	vld.idx.msk [tilespmem:v8+s6+$0x0], $0xffff;
	[tilespmem:s18+$0xFFFFFFD0] =	vst v11;
	s5 =	sor.u32 @!p1 s8, s5  }
0x1ec: {  	v9 =	vld.idx.msk [tilespmem:v9+s6+$0x0], $0xffff;
	[tilespmem:s18+$0xFFFFFFE0] =	vst v12;
	s5 =	sshrl.u32 @!p1 s5, $0x3  }
0x1ed: {  	[tilespmem:s18+$0xFFFFFFF0] =	vst v13;
	s5 =	smul.u32 @!p1 $0xC3800, s5  }
0x1ee: {  	[tilespmem:s18+$0x0] =	vst v16  }
0x1ef: {  	[tilespmem:s18+$0xFFFFFFC0] =	vst v10;
	s5 =	sor.u32 @!p1 s7, s5  }
0x1f0: {  	s2 =	simm.s32 @!p1 $0x80;
	s10 =	simm.s32 @!p1 $0x0;
	[tilespmem:s18+$0x10] =	vst v8;
	s5 =	sshrl.u32 @!p1 s5, $0x3  }
0x1f1: {  	s21 =	simm.s32 $0x19740;
	s8 =	simm.s32 @!p1 $0x400;
	[tilespmem:s18+$0x20] =	vst v9;
	s5 =	sadd.s32 @!p1 s1, s5  }
0x1f2: {  	[tilespmem:s10], [sflag:$0x1] =	stream.strided.gather @!p1 [hbm4b:s5+s2], $0xC300, s8, s2, $0x38;
	[tilespmem:$0x1C700] =	vst v63  }
0x1f3: {  	v15 =	vld [tilespmem:s21+$0xFFFFFFC0]  }
0x1f4: {  	s2 =	simm.s32 $0x0;
	v10 =	vld [tilespmem:s21+$0xFFFFFFF0]  }
0x1f5: {  	v8 =	vmov s2;
	v9 =	vld [tilespmem:s21+$0x30]  }
0x1f6: {  	v16 =	vld [tilespmem:s21+$0x10];
	v8 =	vshrl.u32 v8, $0x7  }
0x1f7: {  	v12 =	vld [tilespmem:s21+$0x0];
	v8 =	vshll.u32 v8, $0x7  }
0x1f8: {  	v8 =	vbroadcast v8, $0x0  }
0x1f9: {  	vm0 =	vgt.s32 v15, $0xC300;
	v11 =	vadd.s32 $0xFFFE7980, v15  }
0x1fa: {  	v13 =	vor.u32 v0, v8;
	vm1 =	vgt.s32 v9, $0xC300;
	v20 =	vadd.s32 $0xFFFE7980, v9  }
0x1fb: {  	vm2 =	vgt.s32 v10, $0xC300;
	v22 =	vadd.s32 $0xFFFE7980, v10;
	v23 =	vadd.s32 $0xFFFE7980, v16  }
0x1fc: {  	vm4 =	vgt.s32 v12, $0xC300;
	v24 =	vadd.s32 $0xFFFE7980, v12;
	v14 =	vnsel vm0, $0xC300, v15  }
0x1fd: {  	vm0 =	vgt.s32 v11, $0x0;
	v21 =	vnsel vm1, $0xC300, v9;
	vm1 =	vgt.s32 v16, $0xC300  }
0x1fe: {  	vm3 =	vgt.s32 v22, $0x0;
	v25 =	vnsel vm4, $0xC300, v12;
	v19 =	vnsel vm0, $0x0, v11;
	v11 =	vld [tilespmem:s21+$0xFFFFFFD0]  }
0x1ff: {  	vm14 =	vgt.s32 v24, $0x0;
	v18 =	vmin.u32 v14, $0x1867F;
	v14 =	vld [tilespmem:s21+$0xFFFFFFE0];
	v17 =	vnsel vm1, $0xC300, v16  }
0x200: {  	vm15 =	vgt.s32 v20, $0x0;
	v24 =	vnsel vm14, $0x0, v24;
	v29 =	vmin.u32 v17, $0x1867F;
	v17 =	vld [tilespmem:s21+$0x20]  }
0x201: {  	v33 =	vnsel vm2, $0xC300, v10;
	vm0 =	vgt.s32 v15, $0xC2FF;
	v34 =	vmin.u32 v25, $0x1867F  }
0x202: {  	vm1 =	vgt.s32 v23, $0x0;
	v27 =	vnsel vm3, $0x0, v22;
	v20 =	vnsel vm15, $0x0, v20  }
0x203: {  	v32 =	vmin.u32 v21, $0x1867F;
	v31 =	vnsel vm1, $0x0, v23;
	vm1 =	vgt.s32 v16, $0xC2FF;
	v25 =	vld.idx.msk [tilespmem:v19+s24+$0x0], $0xffff  }
0x204: {  	vm5 =	vgt.s32 v11, $0xC300;
	vm3 =	vgt.s32 v14, $0xC300;
	v30 =	vadd.s32 $0xFFFE7980, v14;
	v26 =	vld.idx.msk [tilespmem:v18+s6+$0x0], $0xffff  }
0x205: {  	v28 =	vadd.s32 $0xFFFE7980, v11;
	v18 =	vld.idx.msk [tilespmem:v24+s24+$0x0], $0xffff;
	v19 =	vnsel vm3, $0xC300, v14;
	vm3 =	vgt.s32 v17, $0xC300  }
0x206: {  	v21 =	vld.idx.msk [tilespmem:v34+s6+$0x0], $0xffff;
	v24 =	vor.u32 v5, v8;
	v22 =	vnsel vm5, $0xC300, v11;
	v35 =	vnsel vm3, $0xC300, v17  }
0x207: {  	s5 =	simm.s32 $0x197C0;
	vm2 =	vgt.s32 v30, $0x0;
	v23 =	vld.idx.msk [tilespmem:v29+s6+$0x0], $0xffff;
	v29 =	vmin.u32 v19, $0x1867F;
	v19 =	vmin.u32 v35, $0x1867F  }
.LBB2_17:
0x208: {  	s2 =	sadd.s32 $0x80, s2;
	v30 =	vnsel vm2, $0x0, v30;
	v33 =	vmin.u32 v33, $0x1867F;
	v27 =	vld.idx.msk [tilespmem:v27+s24+$0x0], $0xffff;
	v34 =	vadd.s32 $0xFFFE7980, v17  }
0x209: {  	vm2 =	vgt.s32 v15, $0x1867F;
	vm3 =	vgt.s32 v28, $0x0;
	v35 =	vmov s2;
	p1 =	slt.u32 s2, $0xF80;
	v31 =	vld.idx.msk [tilespmem:v31+s24+$0x0], $0xffff  }
0x20a: {  	vm4 =	vgt.s32 v16, $0x1867F;
	vm5 =	vgt.s32 v34, $0x0;
	v15 =	vshrl.u32 v35, $0x7;
	v35 =	vld [tilespmem:s5+$0xFFFFFFF0]  }
0x20b: {  	v16 =	vsel vm2, v25, v26;
	v25 =	vnsel vm5, $0x0, v34;
	v15 =	vshll.u32 v15, $0x7;
	v26 =	vld.idx.msk [tilespmem:v32+s6+$0x0], $0xffff  }
0x20c: {  	v28 =	vnsel vm3, $0x0, v28;
	vm2 =	vgt.s32 v9, $0xC2FF;
	v32 =	vbroadcast v15, $0x0;
	v34 =	vld [tilespmem:s5+$0x30];
	[tilespmem:v13+s3+$0x0] =	vst.idx.msk vm0, v16  }
0x20d: {  	v36 =	vor.u32 v2, v8;
	vm3 =	vgt.s32 v17, $0x1867F;
	vm5 =	vgt.s32 v10, $0xC2FF;
	v15 =	vld [tilespmem:s5+$0xFFFFFFC0]  }
0x20e: {  	v38 =	vor.u32 v1, v8;
	vm6 =	vgt.s32 v14, $0x1867F;
	v13 =	vor.u32 v0, v32;
	v37 =	vld [tilespmem:s5+$0x0]  }
0x20f: {  	v16 =	vsel vm4, v31, v23;
	vm4 =	vgt.s32 v17, $0xC2FF;
	v23 =	vor.u32 v6, v8;
	v29 =	vld.idx.msk [tilespmem:v29+s6+$0x0], $0xffff  }
0x210: {  	vm8 =	vgt.s32 v10, $0x1867F;
	[tilespmem:v24+s3+$0x0] =	vst.idx.msk vm1, v16;
	v24 =	vld.idx.msk [tilespmem:v25+s24+$0x0], $0xffff;
	vm1 =	vgt.s32 v9, $0x1867F;
	v25 =	vor.u32 v7, v8  }
0x211: {  	vm11 =	vgt.s32 v12, $0xC2FF;
	v17 =	vmin.u32 v22, $0x1867F;
	v22 =	vor.u32 v4, v8;
	v10 =	vmovc v35;
	v20 =	vld.idx.msk [tilespmem:v20+s24+$0x0], $0xffff;
	v9 =	vmovc v34  }
0x212: {  	vm7 =	vgt.s32 v12, $0x1867F;
	vm0 =	vgt.s32 v15, $0xC300;
	v31 =	vadd.s32 $0xFFFE7980, v15;
	v16 =	vld [tilespmem:s5+$0x10]  }
0x213: {  	v18 =	vsel vm7, v18, v21;
	v34 =	vnsel vm0, $0xC300, v15;
	vm0 =	vgt.s32 v31, $0x0;
	v33 =	vld.idx.msk [tilespmem:v33+s6+$0x0], $0xffff;
	v12 =	vmovc v37  }
0x214: {  	v21 =	vmin.u32 v34, $0x1867F;
	v31 =	vnsel vm0, $0x0, v31;
	vm0 =	vgt.s32 v15, $0xC2FF;
	v30 =	vld.idx.msk [tilespmem:v30+s24+$0x0], $0xffff  }
0x215: {  	vm9 =	vgt.s32 v14, $0xC2FF;
	vm10 =	vgt.s32 v9, $0xC300;
	v35 =	vadd.s32 $0xFFFE7980, v9;
	v34 =	vld [tilespmem:s5+$0xFFFFFFD0]  }
0x216: {  	v39 =	vor.u32 v3, v8;
	vm7 =	vgt.s32 v10, $0xC300;
	v8 =	vmovc v32;
	v37 =	vnsel vm10, $0xC300, v9;
	v19 =	vld.idx.msk [tilespmem:v19+s6+$0x0], $0xffff  }
0x217: {  	vm12 =	vgt.s32 v11, $0x1867F;
	v32 =	vadd.s32 $0xFFFE7980, v10;
	vm10 =	vgt.s32 v11, $0xC2FF;
	v28 =	vld.idx.msk [tilespmem:v28+s24+$0x0], $0xffff;
	[tilespmem:v22+s3+$0x0] =	vst.idx.msk vm11, v18  }
0x218: {  	vm13 =	vgt.s32 v32, $0x0;
	vm11 =	vgt.s32 v16, $0xC300;
	v18 =	vadd.s32 $0xFFFE7980, v16;
	v22 =	vld.idx.msk [tilespmem:v17+s6+$0x0], $0xffff  }
0x219: {  	v17 =	vnsel vm11, $0xC300, v16;
	vm11 =	vgt.s32 v18, $0x0;
	v27 =	vsel vm8, v27, v33;
	v14 =	vld [tilespmem:s5+$0xFFFFFFE0]  }
0x21a: {  	vm8 =	vgt.s32 v12, $0xC300;
	v33 =	vadd.s32 $0xFFFE7980, v12;
	v29 =	vsel vm6, v30, v29;
	v11 =	vmovc v34  }
0x21b: {  	v20 =	vsel vm1, v20, v26;
	v30 =	vnsel vm8, $0xC300, v12;
	vm6 =	vgt.s32 v33, $0x0;
	[tilespmem:v39+s3+$0x0] =	vst.idx.msk vm5, v27  }
0x21c: {  	v34 =	vmin.u32 v30, $0x1867F;
	v39 =	vmin.u32 v17, $0x1867F;
	v19 =	vsel vm3, v24, v19;
	v17 =	vld [tilespmem:s5+$0x20];
	[tilespmem:v25+s3+$0x0] =	vst.idx.msk vm2, v20  }
0x21d: {  	vm1 =	vgt.s32 v11, $0xC300;
	v27 =	vnsel vm13, $0x0, v32;
	v24 =	vnsel vm6, $0x0, v33;
	[tilespmem:v23+s3+$0x0] =	vst.idx.msk vm4, v19  }
0x21e: {  	vm3 =	vgt.s32 v35, $0x0;
	v19 =	vsel vm12, v28, v22;
	vm2 =	vgt.s32 v14, $0xC300;
	[tilespmem:v36+s3+$0x0] =	vst.idx.msk vm9, v29  }
.Ltmp7:
0x21f: {  	v20 =	vnsel vm3, $0x0, v35;
	v30 =	vadd.s32 $0xFFFE7980, v14;
	v25 =	vld.idx.msk [tilespmem:v31+s24+$0x0], $0xffff;
	v29 =	vnsel vm2, $0xC300, v14;
	[tilespmem:v38+s3+$0x0] =	vst.idx.msk vm10, v19;
	(pc) =	sbr.rel @p1 .LBB2_17-.Ltmp7, $4  }
0x220: {  	v33 =	vnsel vm7, $0xC300, v10;
	v22 =	vnsel vm1, $0xC300, v11;
	v31 =	vnsel vm11, $0x0, v18;
	v26 =	vld.idx.msk [tilespmem:v21+s6+$0x0], $0xffff  }
0x221: {  	v28 =	vadd.s32 $0xFFFE7980, v11;
	vm2 =	vgt.s32 v30, $0x0;
	v23 =	vld.idx.msk [tilespmem:v39+s6+$0x0], $0xffff;
	vm3 =	vgt.s32 v17, $0xC300  }
0x222: {  	v32 =	vmin.u32 v37, $0x1867F;
	vm1 =	vgt.s32 v16, $0xC2FF;
	v18 =	vld.idx.msk [tilespmem:v24+s24+$0x0], $0xffff;
	v19 =	vnsel vm3, $0xC300, v17  }
0x223: {  	s5 =	sadd.s32 $0x80, s5;
	v29 =	vmin.u32 v29, $0x1867F;
	v24 =	vor.u32 v5, v8;
	v21 =	vld.idx.msk [tilespmem:v34+s6+$0x0], $0xffff;
	v19 =	vmin.u32 v19, $0x1867F  }
0x224: {  	_ =	sdelay $0x3  }
0x225: {  	v27 =	vld.idx.msk [tilespmem:v27+s24+$0x0], $0xffff  }
0x226: {  	v33 =	vmin.u32 v33, $0x1867F;
	v31 =	vld.idx.msk [tilespmem:v31+s24+$0x0], $0xffff  }
0x227: {  	v34 =	vadd.s32 $0xFFFE7980, v17;
	v30 =	vnsel vm2, $0x0, v30;
	v32 =	vld.idx.msk [tilespmem:v32+s6+$0x0], $0xffff  }
0x228: {  	v29 =	vld.idx.msk [tilespmem:v29+s6+$0x0], $0xffff;
	v48 =	vmin.u32 v22, $0x1867F;
	vm3 =	vgt.s32 v34, $0x0  }
0x229: {  	vm12 =	vgt.s32 v28, $0x0;
	vm13 =	vgt.s32 v15, $0x1867F;
	v20 =	vld.idx.msk [tilespmem:v20+s24+$0x0], $0xffff;
	v34 =	vnsel vm3, $0x0, v34  }
0x22a: {  	vm14 =	vgt.s32 v16, $0x1867F;
	vm4 =	vgt.s32 v12, $0xC2FF;
	v19 =	vld.idx.msk [tilespmem:v19+s6+$0x0], $0xffff;
	v46 =	vnsel vm12, $0x0, v28  }
0x22b: {  	vm15 =	vgt.s32 v10, $0xC2FF;
	v50 =	vor.u32 v4, v8;
	vm5 =	vgt.s32 v9, $0xC2FF;
	v51 =	vld.idx.msk [tilespmem:v33+s6+$0x0], $0xffff  }
0x22c: {  	v52 =	vor.u32 v2, v8;
	v53 =	vor.u32 v3, v8;
	v54 =	vor.u32 v7, v8;
	v30 =	vld.idx.msk [tilespmem:v30+s24+$0x0], $0xffff  }
0x22d: {  	v55 =	vor.u32 v6, v8;
	vm6 =	vgt.s32 v14, $0xC2FF;
	v49 =	vsel vm13, v25, v26;
	v58 =	vld.idx.msk [tilespmem:v48+s6+$0x0], $0xffff  }
0x22e: {  	vm9 =	vgt.s32 v17, $0xC2FF;
	vm10 =	vgt.s32 v12, $0x1867F;
	[tilespmem:v13+s3+$0x0] =	vst.idx.msk vm0, v49;
	v23 =	vsel vm14, v31, v23;
	v47 =	vld.idx.msk [tilespmem:v34+s24+$0x0], $0xffff  }
0x22f: {  	vm7 =	vgt.s32 v9, $0x1867F;
	vm12 =	vgt.s32 v11, $0xC2FF;
	v57 =	vsel vm10, v18, v21;
	v56 =	vld.idx.msk [tilespmem:v46+s24+$0x0], $0xffff;
	[tilespmem:v24+s3+$0x0] =	vst.idx.msk vm1, v23  }
0x230: {  	vm11 =	vgt.s32 v10, $0x1867F;
	v8 =	vor.u32 v1, v8;
	v60 =	vsel vm7, v20, v32;
	[tilespmem:v50+s3+$0x0] =	vst.idx.msk vm4, v57  }
0x231: {  	vm14 =	vgt.s32 v14, $0x1867F;
	[tilespmem:v54+s3+$0x0] =	vst.idx.msk vm5, v60;
	v59 =	vsel vm11, v27, v51  }
0x232: {  	vm13 =	vgt.s32 v17, $0x1867F;
	v62 =	vsel vm14, v30, v29;
	[tilespmem:v53+s3+$0x0] =	vst.idx.msk vm15, v59  }
0x233: {  	vm15 =	vgt.s32 v11, $0x1867F;
	[tilespmem:v52+s3+$0x0] =	vst.idx.msk vm6, v62;
	v61 =	vsel vm13, v47, v19  }
0x234: {  	v63 =	vsel vm15, v56, v58;
	[tilespmem:v55+s3+$0x0] =	vst.idx.msk vm9, v61  }
0x235: {  	s2 =	sadd.s32 s23, s17;
	[tilespmem:v8+s3+$0x0] =	vst.idx.msk vm12, v63  }
0x236: {  	[hbm4b:s2+s19] =	stream.strided.scatter [tilespmem:s3], [sflag:$0x7], $0x1000, s20, s19, $0x38;
	[tilespmem:$0x1C700] =	vst v63  }
0x237: {  	p1 =	sne.s32 s4, $0x1A;
	_ =	swait.ge [sflag:s0], $0x1000  }
.Ltmp8:
0x238: {  	[sflag:s0] =	ssyncset.done $0x0;
	(pc) =	sbr.rel @p1 .LBB2_2-.Ltmp8, $4  }
0x239: {  	[sflag:s0] =	ssyncadd.s32 $0xFFFFF000  }
0x23a: {  	_ =	swait.ge [sflag:s9], $0x1000  }
0x23b: {  	[sflag:s9] =	ssyncset.done $0x0  }
0x23c: {  	s18 =	smov.u32 s4;
	[sflag:s9] =	ssyncadd.s32 $0xFFFFF000  }
0x23d: {  	s4 =	rddreg [dreg:$0xb]  }
0x23e: {  	s2 =	rddreg [dreg:$0xa];
	s4 =	sadd.s32 $0x1, s4  }
0x23f: {  	p1 =	sne.s32 s4, s2  }
.Ltmp9:
0x240: {  	_ = 	snop;
	(pc) =	sbr.rel @p1 .LBB2_1-.Ltmp9, $1  }
0x241: {  	_ =	sdelay $0x3  }
0x242: {  	_ =	sfence.sel $0x180000  }
0x243: {  	[bflag:$0x0] =	sbarrier.arrive $0xFFFF  }
0x244: {  	_ =	strace $0x90000047  }
0x245: {  	s0 =	stileid.u32;
	[bflag:$0x2] =	sbarrier.arrive $0xFFFF  }
0x246: {  	p0 =	sne.s32 s0, $0x0;
	s0 =	rddreg [dreg:$0x3]  }
0x247: {  	s0 =	sadd.s32 @!p0 $0x100000, s0  }
0x248: {  	[sflag:s0] =	ssyncadd.tile.s32 @!p0 $0x1;
	_ =	shalt  }
.Lfunc_end2:
_tile_overlayer_lowered:
.L_overlay_start_2:
0x249: {  	(tag) =	ssettag $0x2  }
0x24a: {  	s0 =	rddreg [dreg:$0x0];
	s2 =	stileid.u32  }
0x24b: {  	s1 =	rddreg [dreg:$0x1];
	p0 =	sne.s32 s2, $0x0  }
0x24c: {  	s3 =	rddreg [dreg:$0x2];
	[bflag:$0x3] =	sbarrier.arrive $0xFFFF;
	s2 =	simm.s32 @!p0 $0x1C08  }
0x24d: {  	[timem:s3], [sflag:s2] =	dma.local @!p0 [hbm:s0], s1  }
0x24e: {  	s0 =	simm.s32 @!p0 $0x8  }
0x24f: {  	_ =	swait.ge @!p0 [sflag:s0], s1  }
0x250: {  	s1 =	ssub.s32 @!p0 $0x0, s1;
	[sflag:s0] =	ssyncset.done @!p0 $0x0  }
0x251: {  	[sflag:s0] =	ssyncadd.s32 @!p0 s1  }
0x252: {  	[bflag:$0x3] =	sbarrier.arrive $0xFFFF  }
0x253: {  	_ =	shalt  }

</sc_bundles>
